<compile_context>
chip_gen: v7x
topology: tpu7x:2x2x1
jax: 0.10.2.dev20260603
libtpu: 0.0.44.dev20260713+nightly
codegen_flags: <defaults>
</compile_context>

<pallas_src>
import functools

import jax
import jax.numpy as jnp
from jax import lax
from jax.experimental import pallas as pl
from jax.experimental.pallas import tpu as pltpu
from jax.experimental.pallas import tpu_sc as plsc

VOCAB = 100000
EMBED_DIM = 128
BATCH = 4096
CTX = 20


try:
    _info = plsc.get_sparse_core_info()
    _NC, _NS = _info.num_cores, _info.num_subcores
except Exception:
    _NC, _NS = 2, 16
_NW = _NC * _NS
_ROWS_PER_W = BATCH // _NW
_CB = 16
_NCHUNK = _ROWS_PER_W // _CB
_IDX_PER_CHUNK = _CB * CTX


def _sc_body(idx_hbm, table_hbm, out_hbm, idx_v, rows_v, pooled_v, sem):
    wid = lax.axis_index("s") * _NC + lax.axis_index("c")
    base_b = wid * _ROWS_PER_W

    def chunk(ci, _):
        b0 = base_b + ci * _CB
        pltpu.sync_copy(idx_hbm.at[pl.ds(b0 * CTX, _IDX_PER_CHUNK)], idx_v)
        pltpu.async_copy(table_hbm.at[idx_v], rows_v, sem).wait()

        def one_row(bi, _):
            for d in range(EMBED_DIM // 16):
                acc = rows_v[bi * CTX, pl.ds(d * 16, 16)]
                for c in range(1, CTX):
                    acc = acc + rows_v[bi * CTX + c, pl.ds(d * 16, 16)]
                pooled_v[bi, pl.ds(d * 16, 16)] = acc * (1.0 / CTX)
            return 0

        lax.fori_loop(0, _CB, one_row, 0)
        pltpu.sync_copy(pooled_v, out_hbm.at[pl.ds(b0, _CB)])
        return 0

    lax.fori_loop(0, _NCHUNK, chunk, 0)


@functools.cache
def _sc_gather_mean():
    return pl.kernel(
        _sc_body,
        mesh=plsc.VectorSubcoreMesh(core_axis_name="c", subcore_axis_name="s"),
        out_type=jax.ShapeDtypeStruct((BATCH, EMBED_DIM), jnp.float32),
        scratch_types=[
            pltpu.VMEM((_IDX_PER_CHUNK,), jnp.int32),
            pltpu.VMEM((_IDX_PER_CHUNK, EMBED_DIM), jnp.float32),
            pltpu.VMEM((_CB, EMBED_DIM), jnp.float32),
            pltpu.SemaphoreType.DMA,
        ],
    )



_VT = 512
_NV = (VOCAB + _VT - 1) // _VT
_VPAD = _NV * _VT


def _proj_body(pooled_ref, w_ref, b_ref, lse_ref, lg_ref):
    v = pl.program_id(0)
    logits = lax.dot_general(
        pooled_ref[...], w_ref[...], (((1,), (1,)), ((), ())),
        preferred_element_type=jnp.float32,
    ) + b_ref[...]
    lg_ref[...] = logits.astype(jnp.bfloat16)
    tile_sum = jnp.sum(jnp.exp(logits), axis=1, keepdims=True)

    @pl.when(v == 0)
    def _():
        lse_ref[...] = tile_sum

    @pl.when(v > 0)
    def _():
        lse_ref[...] = lse_ref[...] + tile_sum

    @pl.when(v == _NV - 1)
    def _():
        lse_ref[...] = jnp.log(lse_ref[...])


def _tc_project(pooled_b, w_pad, b_pad):
    return pl.pallas_call(
        _proj_body,
        grid=(_NV,),
        in_specs=[
            pl.BlockSpec((BATCH, EMBED_DIM), lambda v: (0, 0)),
            pl.BlockSpec((_VT, EMBED_DIM), lambda v: (v, 0)),
            pl.BlockSpec((1, _VT), lambda v: (0, v)),
        ],
        out_specs=[
            pl.BlockSpec((BATCH, 1), lambda v: (0, 0)),
            pl.BlockSpec((BATCH, _VT), lambda v: (0, v)),
        ],
        out_shape=[
            jax.ShapeDtypeStruct((BATCH, 1), jnp.float32),
            jax.ShapeDtypeStruct((BATCH, VOCAB), jnp.bfloat16),
        ],
        compiler_params=pltpu.CompilerParams(
            dimension_semantics=("arbitrary",),
        ),
    )(pooled_b, w_pad, b_pad)


def kernel(inputs, embed_table, lin_w, lin_b):
    idx_flat = inputs.reshape(-1).astype(jnp.int32)
    pooled = _sc_gather_mean()(idx_flat, embed_table)
    w_pad = jnp.zeros((_VPAD, EMBED_DIM), jnp.bfloat16)
    w_pad = lax.dynamic_update_slice(w_pad, lin_w.astype(jnp.bfloat16), (0, 0))
    b_pad = jnp.full((1, _VPAD), -1e30, jnp.float32)
    b_pad = lax.dynamic_update_slice(b_pad, lin_b.reshape(1, VOCAB), (0, 0))
    lse, lg = _tc_project(pooled.astype(jnp.bfloat16), w_pad, b_pad)
    return (lg, lse)

# --- scband reference (transcript-rebuilt; emitter-appended) ---
"""Pipeline reference for scband-cbow-56865366999535 (READ-ONLY COPY).

The authoritative reference and input builder live on the scoring server;
editing this copy changes nothing except your own understanding.
"""

import jax, jax.numpy as jnp
import numpy as np

VOCAB = 100000
EMBED_DIM = 128
BATCH = 4096
CTX = 20

def setup_inputs(seed: int = 0) -> dict:
    key = jax.random.key(seed)
    k1, k2, k3, k4 = jax.random.split(key, 4)
    inputs = jax.random.randint(k1, (BATCH, CTX), 0, VOCAB, dtype=jnp.int64 if jax.config.read('jax_enable_x64') else jnp.int32)
    embed_table = jax.random.normal(k2, (VOCAB, EMBED_DIM), dtype=jnp.float32) * 0.02
    lin_w = jax.random.normal(k3, (VOCAB, EMBED_DIM), dtype=jnp.float32) * 0.02
    lin_b = jax.random.normal(k4, (VOCAB,), dtype=jnp.float32) * 0.01
    return {"inputs": inputs, "embed_table": embed_table, "lin_w": lin_w, "lin_b": lin_b}

def reference(inputs, embed_table, lin_w, lin_b):
    # embedding lookup: [B, CTX, D]
    embs = jnp.take(embed_table, inputs, axis=0)
    # mean over context window: [B, D]
    pooled = jnp.mean(embs, axis=1)
    # linear projection to vocab: [B, V]
    out = pooled @ lin_w.T + lin_b
    # log softmax over vocab
    probs = jax.nn.log_softmax(out, axis=1)
    return probs

if __name__ == "__main__":
    import jax
    _d = setup_inputs()
    print(jax.jit(kernel)(*tuple(_d.values())))

</pallas_src>

<mosaic_0001>
#map = affine_map<(d0, d1) -> (0)>
#map1 = affine_map<(d0, d1) -> (0, 0)>
module attributes {stable_mosaic.version = 14 : i64} {
  func.func @_sc_body(%arg0: i32, %arg1: i32, %arg2: memref<81920xi32, #tpu.memory_space<hbm>>, %arg3: memref<100000x128xf32, #tpu.memory_space<hbm>>, %arg4: memref<4096x128xf32, #tpu.memory_space<hbm>>, %arg5: memref<320xi32, #tpu.memory_space<vmem>>, %arg6: memref<320x128xf32, #tpu.memory_space<vmem>>, %arg7: memref<16x128xf32, #tpu.memory_space<vmem>>, %arg8: memref<!tpu.dma_semaphore, #tpu.memory_space<semaphore_mem>>) attributes {dimension_semantics = [#tpu.dimension_semantics<core_parallel>, #tpu.dimension_semantics<subcore_parallel>], iteration_bounds = array<i64: 2, 16>, scalar_prefetch = 0 : i64, scratch_operands = 4 : i64, tpu.core_type = #tpu.core_type<sc_vector_subcore>, window_params = [{transform_indices = #map}, {transform_indices = #map1}, {transform_indices = #map1}]} {
    %mul3A = arith.constant 2 : i32
    %mul3A_0 = arith.muli %arg1, %mul3A : i32
    %add3A = arith.addi %mul3A_0, %arg0 : i32
    %mul3A_1 = arith.constant 128 : i32
    %mul3A_2 = arith.muli %add3A, %mul3A_1 : i32
    %scan3A = arith.constant 0 : i32
    %scan3A_3 = arith.constant 0 : i32
    %scan3A_4 = arith.constant 8 : i32
    %scan3A_5 = arith.addi %scan3A_3, %scan3A_4 : i32
    %scan3A_6 = arith.constant 1 : i32
    %scan3A_7 = scf.for %scan3A_9 = %scan3A_3 to %scan3A_5 step %scan3A_6 iter_args(%scan3A_10 = %scan3A) -> (i32)  : i32 {
      %mul3A_11 = arith.constant 16 : i32
      %mul3A_12 = arith.muli %scan3A_9, %mul3A_11 : i32
      %add3A_13 = arith.addi %mul3A_2, %mul3A_12 : i32
      %mul3A_14 = arith.constant 20 : i32
      %mul3A_15 = arith.muli %add3A_13, %mul3A_14 : i32
      "tpu.region"() ({
        %run_scoped3A = tpu.sem_alloc : memref<!tpu.dma_semaphore, #tpu.memory_space<semaphore_mem>>
        %dma_start3A_28 = tpu.memref_slice %arg2[%mul3A_15] : memref<81920xi32, #tpu.memory_space<hbm>> -> memref<320xi32, #tpu.memory_space<hbm>>
        %dma_start3A_29 = tpu.memref_slice %arg2[%mul3A_15] : memref<81920xi32, #tpu.memory_space<hbm>> -> memref<320xi32, #tpu.memory_space<hbm>>
        tpu.enqueue_dma source(%dma_start3A_29 : memref<320xi32, #tpu.memory_space<hbm>>) target(%arg5 : memref<320xi32, #tpu.memory_space<vmem>>) target_semaphore(%run_scoped3A : memref<!tpu.dma_semaphore, #tpu.memory_space<semaphore_mem>>)
        %dma_wait3A_30 = tpu.memref_slice %arg2[%mul3A_15] : memref<81920xi32, #tpu.memory_space<hbm>> -> memref<320xi32, #tpu.memory_space<hbm>>
        %dma_wait3A_31 = tpu.memref_slice %arg2[%mul3A_15] : memref<81920xi32, #tpu.memory_space<hbm>> -> memref<320xi32, #tpu.memory_space<hbm>>
        tpu.wait_dma2 semaphore(%run_scoped3A : memref<!tpu.dma_semaphore, #tpu.memory_space<semaphore_mem>>) src(%dma_wait3A_31 : memref<320xi32, #tpu.memory_space<hbm>>) dst(%arg5 : memref<320xi32, #tpu.memory_space<vmem>>)
        tpu.yield
      }) : () -> ()
      %dma_start3A = arith.constant 0 : i32
      %dma_start3A_16 = arith.constant 0 : i32
      %dma_start3A_17 = tpu.memref_slice %arg3[%dma_start3A, %dma_start3A_16] : memref<100000x128xf32, #tpu.memory_space<hbm>> -> memref<100000x128xf32, #tpu.memory_space<hbm>>
      tpu.enqueue_indirect_dma source(%dma_start3A_17 : memref<100000x128xf32, #tpu.memory_space<hbm>>) target(%arg6 : memref<320x128xf32, #tpu.memory_space<vmem>>) offsets(%arg5 : memref<320xi32, #tpu.memory_space<vmem>>) semaphore(%arg8 : memref<!tpu.dma_semaphore, #tpu.memory_space<semaphore_mem>>)
      %dma_wait3A = arith.constant 0 : i32
      %dma_wait3A_18 = arith.constant 0 : i32
      %dma_wait3A_19 = tpu.memref_slice %arg3[%dma_wait3A, %dma_wait3A_18] : memref<100000x128xf32, #tpu.memory_space<hbm>> -> memref<100000x128xf32, #tpu.memory_space<hbm>>
      tpu.wait_indirect_dma semaphore(%arg8 : memref<!tpu.dma_semaphore, #tpu.memory_space<semaphore_mem>>) src(%dma_wait3A_19 : memref<100000x128xf32, #tpu.memory_space<hbm>>) dst(%arg6 : memref<320x128xf32, #tpu.memory_space<vmem>>)
      %scan3A_20 = arith.constant 0 : i32
      %scan3A_21 = arith.constant 0 : i32
      %scan3A_22 = arith.constant 16 : i32
      %scan3A_23 = arith.addi %scan3A_21, %scan3A_22 : i32
      %scan3A_24 = arith.constant 1 : i32
      %scan3A_25 = scf.for %scan3A_28 = %scan3A_21 to %scan3A_23 step %scan3A_24 iter_args(%scan3A_29 = %scan3A_20) -> (i32)  : i32 {
        %mul3A_30 = arith.constant 20 : i32
        %mul3A_31 = arith.muli %scan3A_28, %mul3A_30 : i32
        %get3A = arith.index_cast %mul3A_31 : i32 to index
        %get3A_32 = arith.constant 0 : index
        %get3A_33 = tpu.vector_load %arg6[%get3A, %get3A_32] {strides = array<i32>} : memref<320x128xf32, #tpu.memory_space<vmem>>, vector<1x16xf32>,
        %get3A_34 = vector.shape_cast %get3A_33 : vector<1x16xf32> to vector<16xf32>
        %mul3A_35 = arith.constant 20 : i32
        %mul3A_36 = arith.muli %scan3A_28, %mul3A_35 : i32
        %add3A_37 = arith.constant 1 : i32
        %add3A_38 = arith.addi %mul3A_36, %add3A_37 : i32
        %get3A_39 = arith.index_cast %add3A_38 : i32 to index
        %get3A_40 = arith.constant 0 : index
        %get3A_41 = tpu.vector_load %arg6[%get3A_39, %get3A_40] {strides = array<i32>} : memref<320x128xf32, #tpu.memory_space<vmem>>, vector<1x16xf32>,
        %get3A_42 = vector.shape_cast %get3A_41 : vector<1x16xf32> to vector<16xf32>
        %add3A_43 = arith.addf %get3A_34, %get3A_42 : vector<16xf32>
        %mul3A_44 = arith.constant 20 : i32
        %mul3A_45 = arith.muli %scan3A_28, %mul3A_44 : i32
        %add3A_46 = arith.constant 2 : i32
        %add3A_47 = arith.addi %mul3A_45, %add3A_46 : i32
        %get3A_48 = arith.index_cast %add3A_47 : i32 to index
        %get3A_49 = arith.constant 0 : index
        %get3A_50 = tpu.vector_load %arg6[%get3A_48, %get3A_49] {strides = array<i32>} : memref<320x128xf32, #tpu.memory_space<vmem>>, vector<1x16xf32>,
        %get3A_51 = vector.shape_cast %get3A_50 : vector<1x16xf32> to vector<16xf32>
        %add3A_52 = arith.addf %add3A_43, %get3A_51 : vector<16xf32>
        %mul3A_53 = arith.constant 20 : i32
        %mul3A_54 = arith.muli %scan3A_28, %mul3A_53 : i32
        %add3A_55 = arith.constant 3 : i32
        %add3A_56 = arith.addi %mul3A_54, %add3A_55 : i32
        %get3A_57 = arith.index_cast %add3A_56 : i32 to index
        %get3A_58 = arith.constant 0 : index
        %get3A_59 = tpu.vector_load %arg6[%get3A_57, %get3A_58] {strides = array<i32>} : memref<320x128xf32, #tpu.memory_space<vmem>>, vector<1x16xf32>,
        %get3A_60 = vector.shape_cast %get3A_59 : vector<1x16xf32> to vector<16xf32>
        %add3A_61 = arith.addf %add3A_52, %get3A_60 : vector<16xf32>
        %mul3A_62 = arith.constant 20 : i32
        %mul3A_63 = arith.muli %scan3A_28, %mul3A_62 : i32
        %add3A_64 = arith.constant 4 : i32
        %add3A_65 = arith.addi %mul3A_63, %add3A_64 : i32
        %get3A_66 = arith.index_cast %add3A_65 : i32 to index
        %get3A_67 = arith.constant 0 : index
        %get3A_68 = tpu.vector_load %arg6[%get3A_66, %get3A_67] {strides = array<i32>} : memref<320x128xf32, #tpu.memory_space<vmem>>, vector<1x16xf32>,
        %get3A_69 = vector.shape_cast %get3A_68 : vector<1x16xf32> to vector<16xf32>
        %add3A_70 = arith.addf %add3A_61, %get3A_69 : vector<16xf32>
        %mul3A_71 = arith.constant 20 : i32
        %mul3A_72 = arith.muli %scan3A_28, %mul3A_71 : i32
        %add3A_73 = arith.constant 5 : i32
        %add3A_74 = arith.addi %mul3A_72, %add3A_73 : i32
        %get3A_75 = arith.index_cast %add3A_74 : i32 to index
        %get3A_76 = arith.constant 0 : index
        %get3A_77 = tpu.vector_load %arg6[%get3A_75, %get3A_76] {strides = array<i32>} : memref<320x128xf32, #tpu.memory_space<vmem>>, vector<1x16xf32>,
        %get3A_78 = vector.shape_cast %get3A_77 : vector<1x16xf32> to vector<16xf32>
        %add3A_79 = arith.addf %add3A_70, %get3A_78 : vector<16xf32>
        %mul3A_80 = arith.constant 20 : i32
        %mul3A_81 = arith.muli %scan3A_28, %mul3A_80 : i32
        %add3A_82 = arith.constant 6 : i32
        %add3A_83 = arith.addi %mul3A_81, %add3A_82 : i32
        %get3A_84 = arith.index_cast %add3A_83 : i32 to index
        %get3A_85 = arith.constant 0 : index
        %get3A_86 = tpu.vector_load %arg6[%get3A_84, %get3A_85] {strides = array<i32>} : memref<320x128xf32, #tpu.memory_space<vmem>>, vector<1x16xf32>,
        %get3A_87 = vector.shape_cast %get3A_86 : vector<1x16xf32> to vector<16xf32>
        %add3A_88 = arith.addf %add3A_79, %get3A_87 : vector<16xf32>
        %mul3A_89 = arith.constant 20 : i32
        %mul3A_90 = arith.muli %scan3A_28, %mul3A_89 : i32
        %add3A_91 = arith.constant 7 : i32
        %add3A_92 = arith.addi %mul3A_90, %add3A_91 : i32
        %get3A_93 = arith.index_cast %add3A_92 : i32 to index
        %get3A_94 = arith.constant 0 : index
        %get3A_95 = tpu.vector_load %arg6[%get3A_93, %get3A_94] {strides = array<i32>} : memref<320x128xf32, #tpu.memory_space<vmem>>, vector<1x16xf32>,
        %get3A_96 = vector.shape_cast %get3A_95 : vector<1x16xf32> to vector<16xf32>
        %add3A_97 = arith.addf %add3A_88, %get3A_96 : vector<16xf32>
        %mul3A_98 = arith.constant 20 : i32
        %mul3A_99 = arith.muli %scan3A_28, %mul3A_98 : i32
        %add3A_100 = arith.constant 8 : i32
        %add3A_101 = arith.addi %mul3A_99, %add3A_100 : i32
        %get3A_102 = arith.index_cast %add3A_101 : i32 to index
        %get3A_103 = arith.constant 0 : index
        %get3A_104 = tpu.vector_load %arg6[%get3A_102, %get3A_103] {strides = array<i32>} : memref<320x128xf32, #tpu.memory_space<vmem>>, vector<1x16xf32>,
        %get3A_105 = vector.shape_cast %get3A_104 : vector<1x16xf32> to vector<16xf32>
        %add3A_106 = arith.addf %add3A_97, %get3A_105 : vector<16xf32>
        %mul3A_107 = arith.constant 20 : i32
        %mul3A_108 = arith.muli %scan3A_28, %mul3A_107 : i32
        %add3A_109 = arith.constant 9 : i32
        %add3A_110 = arith.addi %mul3A_108, %add3A_109 : i32
        %get3A_111 = arith.index_cast %add3A_110 : i32 to index
        %get3A_112 = arith.constant 0 : index
        %get3A_113 = tpu.vector_load %arg6[%get3A_111, %get3A_112] {strides = array<i32>} : memref<320x128xf32, #tpu.memory_space<vmem>>, vector<1x16xf32>,
        %get3A_114 = vector.shape_cast %get3A_113 : vector<1x16xf32> to vector<16xf32>
        %add3A_115 = arith.addf %add3A_106, %get3A_114 : vector<16xf32>
        %mul3A_116 = arith.constant 20 : i32
        %mul3A_117 = arith.muli %scan3A_28, %mul3A_116 : i32
        %add3A_118 = arith.constant 10 : i32
        %add3A_119 = arith.addi %mul3A_117, %add3A_118 : i32
        %get3A_120 = arith.index_cast %add3A_119 : i32 to index
        %get3A_121 = arith.constant 0 : index
        %get3A_122 = tpu.vector_load %arg6[%get3A_120, %get3A_121] {strides = array<i32>} : memref<320x128xf32, #tpu.memory_space<vmem>>, vector<1x16xf32>,
        %get3A_123 = vector.shape_cast %get3A_122 : vector<1x16xf32> to vector<16xf32>
        %add3A_124 = arith.addf %add3A_115, %get3A_123 : vector<16xf32>
        %mul3A_125 = arith.constant 20 : i32
        %mul3A_126 = arith.muli %scan3A_28, %mul3A_125 : i32
        %add3A_127 = arith.constant 11 : i32
        %add3A_128 = arith.addi %mul3A_126, %add3A_127 : i32
        %get3A_129 = arith.index_cast %add3A_128 : i32 to index
        %get3A_130 = arith.constant 0 : index
        %get3A_131 = tpu.vector_load %arg6[%get3A_129, %get3A_130] {strides = array<i32>} : memref<320x128xf32, #tpu.memory_space<vmem>>, vector<1x16xf32>,
        %get3A_132 = vector.shape_cast %get3A_131 : vector<1x16xf32> to vector<16xf32>
        %add3A_133 = arith.addf %add3A_124, %get3A_132 : vector<16xf32>
        %mul3A_134 = arith.constant 20 : i32
        %mul3A_135 = arith.muli %scan3A_28, %mul3A_134 : i32
        %add3A_136 = arith.constant 12 : i32
        %add3A_137 = arith.addi %mul3A_135, %add3A_136 : i32
        %get3A_138 = arith.index_cast %add3A_137 : i32 to index
        %get3A_139 = arith.constant 0 : index
        %get3A_140 = tpu.vector_load %arg6[%get3A_138, %get3A_139] {strides = array<i32>} : memref<320x128xf32, #tpu.memory_space<vmem>>, vector<1x16xf32>,
        %get3A_141 = vector.shape_cast %get3A_140 : vector<1x16xf32> to vector<16xf32>
        %add3A_142 = arith.addf %add3A_133, %get3A_141 : vector<16xf32>
        %mul3A_143 = arith.constant 20 : i32
        %mul3A_144 = arith.muli %scan3A_28, %mul3A_143 : i32
        %add3A_145 = arith.constant 13 : i32
        %add3A_146 = arith.addi %mul3A_144, %add3A_145 : i32
        %get3A_147 = arith.index_cast %add3A_146 : i32 to index
        %get3A_148 = arith.constant 0 : index
        %get3A_149 = tpu.vector_load %arg6[%get3A_147, %get3A_148] {strides = array<i32>} : memref<320x128xf32, #tpu.memory_space<vmem>>, vector<1x16xf32>,
        %get3A_150 = vector.shape_cast %get3A_149 : vector<1x16xf32> to vector<16xf32>
        %add3A_151 = arith.addf %add3A_142, %get3A_150 : vector<16xf32>
        %mul3A_152 = arith.constant 20 : i32
        %mul3A_153 = arith.muli %scan3A_28, %mul3A_152 : i32
        %add3A_154 = arith.constant 14 : i32
        %add3A_155 = arith.addi %mul3A_153, %add3A_154 : i32
        %get3A_156 = arith.index_cast %add3A_155 : i32 to index
        %get3A_157 = arith.constant 0 : index
        %get3A_158 = tpu.vector_load %arg6[%get3A_156, %get3A_157] {strides = array<i32>} : memref<320x128xf32, #tpu.memory_space<vmem>>, vector<1x16xf32>,
        %get3A_159 = vector.shape_cast %get3A_158 : vector<1x16xf32> to vector<16xf32>
        %add3A_160 = arith.addf %add3A_151, %get3A_159 : vector<16xf32>
        %mul3A_161 = arith.constant 20 : i32
        %mul3A_162 = arith.muli %scan3A_28, %mul3A_161 : i32
        %add3A_163 = arith.constant 15 : i32
        %add3A_164 = arith.addi %mul3A_162, %add3A_163 : i32
        %get3A_165 = arith.index_cast %add3A_164 : i32 to index
        %get3A_166 = arith.constant 0 : index
        %get3A_167 = tpu.vector_load %arg6[%get3A_165, %get3A_166] {strides = array<i32>} : memref<320x128xf32, #tpu.memory_space<vmem>>, vector<1x16xf32>,
        %get3A_168 = vector.shape_cast %get3A_167 : vector<1x16xf32> to vector<16xf32>
        %add3A_169 = arith.addf %add3A_160, %get3A_168 : vector<16xf32>
        %mul3A_170 = arith.constant 20 : i32
        %mul3A_171 = arith.muli %scan3A_28, %mul3A_170 : i32
        %add3A_172 = arith.constant 16 : i32
        %add3A_173 = arith.addi %mul3A_171, %add3A_172 : i32
        %get3A_174 = arith.index_cast %add3A_173 : i32 to index
        %get3A_175 = arith.constant 0 : index
        %get3A_176 = tpu.vector_load %arg6[%get3A_174, %get3A_175] {strides = array<i32>} : memref<320x128xf32, #tpu.memory_space<vmem>>, vector<1x16xf32>,
        %get3A_177 = vector.shape_cast %get3A_176 : vector<1x16xf32> to vector<16xf32>
        %add3A_178 = arith.addf %add3A_169, %get3A_177 : vector<16xf32>
        %mul3A_179 = arith.constant 20 : i32
        %mul3A_180 = arith.muli %scan3A_28, %mul3A_179 : i32
        %add3A_181 = arith.constant 17 : i32
        %add3A_182 = arith.addi %mul3A_180, %add3A_181 : i32
        %get3A_183 = arith.index_cast %add3A_182 : i32 to index
        %get3A_184 = arith.constant 0 : index
        %get3A_185 = tpu.vector_load %arg6[%get3A_183, %get3A_184] {strides = array<i32>} : memref<320x128xf32, #tpu.memory_space<vmem>>, vector<1x16xf32>,
        %get3A_186 = vector.shape_cast %get3A_185 : vector<1x16xf32> to vector<16xf32>
        %add3A_187 = arith.addf %add3A_178, %get3A_186 : vector<16xf32>
        %mul3A_188 = arith.constant 20 : i32
        %mul3A_189 = arith.muli %scan3A_28, %mul3A_188 : i32
        %add3A_190 = arith.constant 18 : i32
        %add3A_191 = arith.addi %mul3A_189, %add3A_190 : i32
        %get3A_192 = arith.index_cast %add3A_191 : i32 to index
        %get3A_193 = arith.constant 0 : index
        %get3A_194 = tpu.vector_load %arg6[%get3A_192, %get3A_193] {strides = array<i32>} : memref<320x128xf32, #tpu.memory_space<vmem>>, vector<1x16xf32>,
        %get3A_195 = vector.shape_cast %get3A_194 : vector<1x16xf32> to vector<16xf32>
        %add3A_196 = arith.addf %add3A_187, %get3A_195 : vector<16xf32>
        %mul3A_197 = arith.constant 20 : i32
        %mul3A_198 = arith.muli %scan3A_28, %mul3A_197 : i32
        %add3A_199 = arith.constant 19 : i32
        %add3A_200 = arith.addi %mul3A_198, %add3A_199 : i32
        %get3A_201 = arith.index_cast %add3A_200 : i32 to index
        %get3A_202 = arith.constant 0 : index
        %get3A_203 = tpu.vector_load %arg6[%get3A_201, %get3A_202] {strides = array<i32>} : memref<320x128xf32, #tpu.memory_space<vmem>>, vector<1x16xf32>,
        %get3A_204 = vector.shape_cast %get3A_203 : vector<1x16xf32> to vector<16xf32>
        %add3A_205 = arith.addf %add3A_196, %get3A_204 : vector<16xf32>
        %mul3A_206 = arith.constant 5.000000e-02 : f32
        %mul3A_207 = vector.broadcast %mul3A_206 : f32 to vector<16xf32>
        %mul3A_208 = arith.mulf %add3A_205, %mul3A_207 : vector<16xf32>
        %swap3A = arith.index_cast %scan3A_28 : i32 to index
        %swap3A_209 = arith.constant 0 : index
        %swap3A_210 = tpu.vector_load %arg7[%swap3A, %swap3A_209] {strides = array<i32>} : memref<16x128xf32, #tpu.memory_space<vmem>>, vector<1x16xf32>,
        %swap3A_211 = vector.shape_cast %swap3A_210 : vector<1x16xf32> to vector<16xf32>
        %swap3A_212 = vector.shape_cast %mul3A_208 : vector<16xf32> to vector<1x16xf32>
        tpu.vector_store %arg7[%swap3A, %swap3A_209], %swap3A_212 {strides = array<i32>} : memref<16x128xf32, #tpu.memory_space<vmem>>, vector<1x16xf32>,
        %mul3A_213 = arith.constant 20 : i32
        %mul3A_214 = arith.muli %scan3A_28, %mul3A_213 : i32
        %get3A_215 = arith.index_cast %mul3A_214 : i32 to index
        %get3A_216 = arith.constant 16 : index
        %get3A_217 = tpu.vector_load %arg6[%get3A_215, %get3A_216] {strides = array<i32>} : memref<320x128xf32, #tpu.memory_space<vmem>>, vector<1x16xf32>,
        %get3A_218 = vector.shape_cast %get3A_217 : vector<1x16xf32> to vector<16xf32>
        %mul3A_219 = arith.constant 20 : i32
        %mul3A_220 = arith.muli %scan3A_28, %mul3A_219 : i32
        %add3A_221 = arith.constant 1 : i32
        %add3A_222 = arith.addi %mul3A_220, %add3A_221 : i32
        %get3A_223 = arith.index_cast %add3A_222 : i32 to index
        %get3A_224 = arith.constant 16 : index
        %get3A_225 = tpu.vector_load %arg6[%get3A_223, %get3A_224] {strides = array<i32>} : memref<320x128xf32, #tpu.memory_space<vmem>>, vector<1x16xf32>,
        %get3A_226 = vector.shape_cast %get3A_225 : vector<1x16xf32> to vector<16xf32>
        %add3A_227 = arith.addf %get3A_218, %get3A_226 : vector<16xf32>
        %mul3A_228 = arith.constant 20 : i32
        %mul3A_229 = arith.muli %scan3A_28, %mul3A_228 : i32
        %add3A_230 = arith.constant 2 : i32
        %add3A_231 = arith.addi %mul3A_229, %add3A_230 : i32
        %get3A_232 = arith.index_cast %add3A_231 : i32 to index
        %get3A_233 = arith.constant 16 : index
        %get3A_234 = tpu.vector_load %arg6[%get3A_232, %get3A_233] {strides = array<i32>} : memref<320x128xf32, #tpu.memory_space<vmem>>, vector<1x16xf32>,
        %get3A_235 = vector.shape_cast %get3A_234 : vector<1x16xf32> to vector<16xf32>
        %add3A_236 = arith.addf %add3A_227, %get3A_235 : vector<16xf32>
        %mul3A_237 = arith.constant 20 : i32
        %mul3A_238 = arith.muli %scan3A_28, %mul3A_237 : i32
        %add3A_239 = arith.constant 3 : i32
        %add3A_240 = arith.addi %mul3A_238, %add3A_239 : i32
        %get3A_241 = arith.index_cast %add3A_240 : i32 to index
        %get3A_242 = arith.constant 16 : index
        %get3A_243 = tpu.vector_load %arg6[%get3A_241, %get3A_242] {strides = array<i32>} : memref<320x128xf32, #tpu.memory_space<vmem>>, vector<1x16xf32>,
        %get3A_244 = vector.shape_cast %get3A_243 : vector<1x16xf32> to vector<16xf32>
        %add3A_245 = arith.addf %add3A_236, %get3A_244 : vector<16xf32>
        %mul3A_246 = arith.constant 20 : i32
        %mul3A_247 = arith.muli %scan3A_28, %mul3A_246 : i32
        %add3A_248 = arith.constant 4 : i32
        %add3A_249 = arith.addi %mul3A_247, %add3A_248 : i32
        %get3A_250 = arith.index_cast %add3A_249 : i32 to index
        %get3A_251 = arith.constant 16 : index
        %get3A_252 = tpu.vector_load %arg6[%get3A_250, %get3A_251] {strides = array<i32>} : memref<320x128xf32, #tpu.memory_space<vmem>>, vector<1x16xf32>,
        %get3A_253 = vector.shape_cast %get3A_252 : vector<1x16xf32> to vector<16xf32>
        %add3A_254 = arith.addf %add3A_245, %get3A_253 : vector<16xf32>
        %mul3A_255 = arith.constant 20 : i32
        %mul3A_256 = arith.muli %scan3A_28, %mul3A_255 : i32
        %add3A_257 = arith.constant 5 : i32
        %add3A_258 = arith.addi %mul3A_256, %add3A_257 : i32
        %get3A_259 = arith.index_cast %add3A_258 : i32 to index
        %get3A_260 = arith.constant 16 : index
        %get3A_261 = tpu.vector_load %arg6[%get3A_259, %get3A_260] {strides = array<i32>} : memref<320x128xf32, #tpu.memory_space<vmem>>, vector<1x16xf32>,
        %get3A_262 = vector.shape_cast %get3A_261 : vector<1x16xf32> to vector<16xf32>
        %add3A_263 = arith.addf %add3A_254, %get3A_262 : vector<16xf32>
        %mul3A_264 = arith.constant 20 : i32
        %mul3A_265 = arith.muli %scan3A_28, %mul3A_264 : i32
        %add3A_266 = arith.constant 6 : i32
        %add3A_267 = arith.addi %mul3A_265, %add3A_266 : i32
        %get3A_268 = arith.index_cast %add3A_267 : i32 to index
        %get3A_269 = arith.constant 16 : index
        %get3A_270 = tpu.vector_load %arg6[%get3A_268, %get3A_269] {strides = array<i32>} : memref<320x128xf32, #tpu.memory_space<vmem>>, vector<1x16xf32>,
        %get3A_271 = vector.shape_cast %get3A_270 : vector<1x16xf32> to vector<16xf32>
        %add3A_272 = arith.addf %add3A_263, %get3A_271 : vector<16xf32>
        %mul3A_273 = arith.constant 20 : i32
        %mul3A_274 = arith.muli %scan3A_28, %mul3A_273 : i32
        %add3A_275 = arith.constant 7 : i32
        %add3A_276 = arith.addi %mul3A_274, %add3A_275 : i32
        %get3A_277 = arith.index_cast %add3A_276 : i32 to index
        %get3A_278 = arith.constant 16 : index
        %get3A_279 = tpu.vector_load %arg6[%get3A_277, %get3A_278] {strides = array<i32>} : memref<320x128xf32, #tpu.memory_space<vmem>>, vector<1x16xf32>,
        %get3A_280 = vector.shape_cast %get3A_279 : vector<1x16xf32> to vector<16xf32>
        %add3A_281 = arith.addf %add3A_272, %get3A_280 : vector<16xf32>
        %mul3A_282 = arith.constant 20 : i32
        %mul3A_283 = arith.muli %scan3A_28, %mul3A_282 : i32
        %add3A_284 = arith.constant 8 : i32
        %add3A_285 = arith.addi %mul3A_283, %add3A_284 : i32
        %get3A_286 = arith.index_cast %add3A_285 : i32 to index
        %get3A_287 = arith.constant 16 : index
        %get3A_288 = tpu.vector_load %arg6[%get3A_286, %get3A_287] {strides = array<i32>} : memref<320x128xf32, #tpu.memory_space<vmem>>, vector<1x16xf32>,
        %get3A_289 = vector.shape_cast %get3A_288 : vector<1x16xf32> to vector<16xf32>
        %add3A_290 = arith.addf %add3A_281, %get3A_289 : vector<16xf32>
        %mul3A_291 = arith.constant 20 : i32
        %mul3A_292 = arith.muli %scan3A_28, %mul3A_291 : i32
        %add3A_293 = arith.constant 9 : i32
        %add3A_294 = arith.addi %mul3A_292, %add3A_293 : i32
        %get3A_295 = arith.index_cast %add3A_294 : i32 to index
        %get3A_296 = arith.constant 16 : index
        %get3A_297 = tpu.vector_load %arg6[%get3A_295, %get3A_296] {strides = array<i32>} : memref<320x128xf32, #tpu.memory_space<vmem>>, vector<1x16xf32>,
        %get3A_298 = vector.shape_cast %get3A_297 : vector<1x16xf32> to vector<16xf32>
        %add3A_299 = arith.addf %add3A_290, %get3A_298 : vector<16xf32>
        %mul3A_300 = arith.constant 20 : i32
        %mul3A_301 = arith.muli %scan3A_28, %mul3A_300 : i32
        %add3A_302 = arith.constant 10 : i32
        %add3A_303 = arith.addi %mul3A_301, %add3A_302 : i32
        %get3A_304 = arith.index_cast %add3A_303 : i32 to index
        %get3A_305 = arith.constant 16 : index
        %get3A_306 = tpu.vector_load %arg6[%get3A_304, %get3A_305] {strides = array<i32>} : memref<320x128xf32, #tpu.memory_space<vmem>>, vector<1x16xf32>,
        %get3A_307 = vector.shape_cast %get3A_306 : vector<1x16xf32> to vector<16xf32>
        %add3A_308 = arith.addf %add3A_299, %get3A_307 : vector<16xf32>
        %mul3A_309 = arith.constant 20 : i32
        %mul3A_310 = arith.muli %scan3A_28, %mul3A_309 : i32
        %add3A_311 = arith.constant 11 : i32
        %add3A_312 = arith.addi %mul3A_310, %add3A_311 : i32
        %get3A_313 = arith.index_cast %add3A_312 : i32 to index
        %get3A_314 = arith.constant 16 : index
        %get3A_315 = tpu.vector_load %arg6[%get3A_313, %get3A_314] {strides = array<i32>} : memref<320x128xf32, #tpu.memory_space<vmem>>, vector<1x16xf32>,
        %get3A_316 = vector.shape_cast %get3A_315 : vector<1x16xf32> to vector<16xf32>
        %add3A_317 = arith.addf %add3A_308, %get3A_316 : vector<16xf32>
        %mul3A_318 = arith.constant 20 : i32
        %mul3A_319 = arith.muli %scan3A_28, %mul3A_318 : i32
        %add3A_320 = arith.constant 12 : i32
        %add3A_321 = arith.addi %mul3A_319, %add3A_320 : i32
        %get3A_322 = arith.index_cast %add3A_321 : i32 to index
        %get3A_323 = arith.constant 16 : index
        %get3A_324 = tpu.vector_load %arg6[%get3A_322, %get3A_323] {strides = array<i32>} : memref<320x128xf32, #tpu.memory_space<vmem>>, vector<1x16xf32>,
        %get3A_325 = vector.shape_cast %get3A_324 : vector<1x16xf32> to vector<16xf32>
        %add3A_326 = arith.addf %add3A_317, %get3A_325 : vector<16xf32>
        %mul3A_327 = arith.constant 20 : i32
        %mul3A_328 = arith.muli %scan3A_28, %mul3A_327 : i32
        %add3A_329 = arith.constant 13 : i32
        %add3A_330 = arith.addi %mul3A_328, %add3A_329 : i32
        %get3A_331 = arith.index_cast %add3A_330 : i32 to index
        %get3A_332 = arith.constant 16 : index
        %get3A_333 = tpu.vector_load %arg6[%get3A_331, %get3A_332] {strides = array<i32>} : memref<320x128xf32, #tpu.memory_space<vmem>>, vector<1x16xf32>,
        %get3A_334 = vector.shape_cast %get3A_333 : vector<1x16xf32> to vector<16xf32>
        %add3A_335 = arith.addf %add3A_326, %get3A_334 : vector<16xf32>
        %mul3A_336 = arith.constant 20 : i32
        %mul3A_337 = arith.muli %scan3A_28, %mul3A_336 : i32
        %add3A_338 = arith.constant 14 : i32
        %add3A_339 = arith.addi %mul3A_337, %add3A_338 : i32
        %get3A_340 = arith.index_cast %add3A_339 : i32 to index
        %get3A_341 = arith.constant 16 : index
        %get3A_342 = tpu.vector_load %arg6[%get3A_340, %get3A_341] {strides = array<i32>} : memref<320x128xf32, #tpu.memory_space<vmem>>, vector<1x16xf32>,
        %get3A_343 = vector.shape_cast %get3A_342 : vector<1x16xf32> to vector<16xf32>
        %add3A_344 = arith.addf %add3A_335, %get3A_343 : vector<16xf32>
        %mul3A_345 = arith.constant 20 : i32
        %mul3A_346 = arith.muli %scan3A_28, %mul3A_345 : i32
        %add3A_347 = arith.constant 15 : i32
        %add3A_348 = arith.addi %mul3A_346, %add3A_347 : i32
        %get3A_349 = arith.index_cast %add3A_348 : i32 to index
        %get3A_350 = arith.constant 16 : index
        %get3A_351 = tpu.vector_load %arg6[%get3A_349, %get3A_350] {strides = array<i32>} : memref<320x128xf32, #tpu.memory_space<vmem>>, vector<1x16xf32>,
        %get3A_352 = vector.shape_cast %get3A_351 : vector<1x16xf32> to vector<16xf32>
        %add3A_353 = arith.addf %add3A_344, %get3A_352 : vector<16xf32>
        %mul3A_354 = arith.constant 20 : i32
        %mul3A_355 = arith.muli %scan3A_28, %mul3A_354 : i32
        %add3A_356 = arith.constant 16 : i32
        %add3A_357 = arith.addi %mul3A_355, %add3A_356 : i32
        %get3A_358 = arith.index_cast %add3A_357 : i32 to index
        %get3A_359 = arith.constant 16 : index
        %get3A_360 = tpu.vector_load %arg6[%get3A_358, %get3A_359] {strides = array<i32>} : memref<320x128xf32, #tpu.memory_space<vmem>>, vector<1x16xf32>,
        %get3A_361 = vector.shape_cast %get3A_360 : vector<1x16xf32> to vector<16xf32>
        %add3A_362 = arith.addf %add3A_353, %get3A_361 : vector<16xf32>
        %mul3A_363 = arith.constant 20 : i32
        %mul3A_364 = arith.muli %scan3A_28, %mul3A_363 : i32
        %add3A_365 = arith.constant 17 : i32
        %add3A_366 = arith.addi %mul3A_364, %add3A_365 : i32
        %get3A_367 = arith.index_cast %add3A_366 : i32 to index
        %get3A_368 = arith.constant 16 : index
        %get3A_369 = tpu.vector_load %arg6[%get3A_367, %get3A_368] {strides = array<i32>} : memref<320x128xf32, #tpu.memory_space<vmem>>, vector<1x16xf32>,
        %get3A_370 = vector.shape_cast %get3A_369 : vector<1x16xf32> to vector<16xf32>
        %add3A_371 = arith.addf %add3A_362, %get3A_370 : vector<16xf32>
        %mul3A_372 = arith.constant 20 : i32
        %mul3A_373 = arith.muli %scan3A_28, %mul3A_372 : i32
        %add3A_374 = arith.constant 18 : i32
        %add3A_375 = arith.addi %mul3A_373, %add3A_374 : i32
        %get3A_376 = arith.index_cast %add3A_375 : i32 to index
        %get3A_377 = arith.constant 16 : index
        %get3A_378 = tpu.vector_load %arg6[%get3A_376, %get3A_377] {strides = array<i32>} : memref<320x128xf32, #tpu.memory_space<vmem>>, vector<1x16xf32>,
        %get3A_379 = vector.shape_cast %get3A_378 : vector<1x16xf32> to vector<16xf32>
        %add3A_380 = arith.addf %add3A_371, %get3A_379 : vector<16xf32>
        %mul3A_381 = arith.constant 20 : i32
        %mul3A_382 = arith.muli %scan3A_28, %mul3A_381 : i32
        %add3A_383 = arith.constant 19 : i32
        %add3A_384 = arith.addi %mul3A_382, %add3A_383 : i32
        %get3A_385 = arith.index_cast %add3A_384 : i32 to index
        %get3A_386 = arith.constant 16 : index
        %get3A_387 = tpu.vector_load %arg6[%get3A_385, %get3A_386] {strides = array<i32>} : memref<320x128xf32, #tpu.memory_space<vmem>>, vector<1x16xf32>,
        %get3A_388 = vector.shape_cast %get3A_387 : vector<1x16xf32> to vector<16xf32>
        %add3A_389 = arith.addf %add3A_380, %get3A_388 : vector<16xf32>
        %mul3A_390 = arith.constant 5.000000e-02 : f32
        %mul3A_391 = vector.broadcast %mul3A_390 : f32 to vector<16xf32>
        %mul3A_392 = arith.mulf %add3A_389, %mul3A_391 : vector<16xf32>
        %swap3A_393 = arith.index_cast %scan3A_28 : i32 to index
        %swap3A_394 = arith.constant 16 : index
        %swap3A_395 = tpu.vector_load %arg7[%swap3A_393, %swap3A_394] {strides = array<i32>} : memref<16x128xf32, #tpu.memory_space<vmem>>, vector<1x16xf32>,
        %swap3A_396 = vector.shape_cast %swap3A_395 : vector<1x16xf32> to vector<16xf32>
        %swap3A_397 = vector.shape_cast %mul3A_392 : vector<16xf32> to vector<1x16xf32>
        tpu.vector_store %arg7[%swap3A_393, %swap3A_394], %swap3A_397 {strides = array<i32>} : memref<16x128xf32, #tpu.memory_space<vmem>>, vector<1x16xf32>,
        %mul3A_398 = arith.constant 20 : i32
        %mul3A_399 = arith.muli %scan3A_28, %mul3A_398 : i32
        %get3A_400 = arith.index_cast %mul3A_399 : i32 to index
        %get3A_401 = arith.constant 32 : index
        %get3A_402 = tpu.vector_load %arg6[%get3A_400, %get3A_401] {strides = array<i32>} : memref<320x128xf32, #tpu.memory_space<vmem>>, vector<1x16xf32>,
        %get3A_403 = vector.shape_cast %get3A_402 : vector<1x16xf32> to vector<16xf32>
        %mul3A_404 = arith.constant 20 : i32
        %mul3A_405 = arith.muli %scan3A_28, %mul3A_404 : i32
        %add3A_406 = arith.constant 1 : i32
        %add3A_407 = arith.addi %mul3A_405, %add3A_406 : i32
        %get3A_408 = arith.index_cast %add3A_407 : i32 to index
        %get3A_409 = arith.constant 32 : index
        %get3A_410 = tpu.vector_load %arg6[%get3A_408, %get3A_409] {strides = array<i32>} : memref<320x128xf32, #tpu.memory_space<vmem>>, vector<1x16xf32>,
        %get3A_411 = vector.shape_cast %get3A_410 : vector<1x16xf32> to vector<16xf32>
        %add3A_412 = arith.addf %get3A_403, %get3A_411 : vector<16xf32>
        %mul3A_413 = arith.constant 20 : i32
        %mul3A_414 = arith.muli %scan3A_28, %mul3A_413 : i32
        %add3A_415 = arith.constant 2 : i32
        %add3A_416 = arith.addi %mul3A_414, %add3A_415 : i32
        %get3A_417 = arith.index_cast %add3A_416 : i32 to index
        %get3A_418 = arith.constant 32 : index
        %get3A_419 = tpu.vector_load %arg6[%get3A_417, %get3A_418] {strides = array<i32>} : memref<320x128xf32, #tpu.memory_space<vmem>>, vector<1x16xf32>,
        %get3A_420 = vector.shape_cast %get3A_419 : vector<1x16xf32> to vector<16xf32>
        %add3A_421 = arith.addf %add3A_412, %get3A_420 : vector<16xf32>
        %mul3A_422 = arith.constant 20 : i32
        %mul3A_423 = arith.muli %scan3A_28, %mul3A_422 : i32
        %add3A_424 = arith.constant 3 : i32
        %add3A_425 = arith.addi %mul3A_423, %add3A_424 : i32
        %get3A_426 = arith.index_cast %add3A_425 : i32 to index
        %get3A_427 = arith.constant 32 : index
        %get3A_428 = tpu.vector_load %arg6[%get3A_426, %get3A_427] {strides = array<i32>} : memref<320x128xf32, #tpu.memory_space<vmem>>, vector<1x16xf32>,
        %get3A_429 = vector.shape_cast %get3A_428 : vector<1x16xf32> to vector<16xf32>
        %add3A_430 = arith.addf %add3A_421, %get3A_429 : vector<16xf32>
        %mul3A_431 = arith.constant 20 : i32
        %mul3A_432 = arith.muli %scan3A_28, %mul3A_431 : i32
        %add3A_433 = arith.constant 4 : i32
        %add3A_434 = arith.addi %mul3A_432, %add3A_433 : i32
        %get3A_435 = arith.index_cast %add3A_434 : i32 to index
        %get3A_436 = arith.constant 32 : index
        %get3A_437 = tpu.vector_load %arg6[%get3A_435, %get3A_436] {strides = array<i32>} : memref<320x128xf32, #tpu.memory_space<vmem>>, vector<1x16xf32>,
        %get3A_438 = vector.shape_cast %get3A_437 : vector<1x16xf32> to vector<16xf32>
        %add3A_439 = arith.addf %add3A_430, %get3A_438 : vector<16xf32>
        %mul3A_440 = arith.constant 20 : i32
        %mul3A_441 = arith.muli %scan3A_28, %mul3A_440 : i32
        %add3A_442 = arith.constant 5 : i32
        %add3A_443 = arith.addi %mul3A_441, %add3A_442 : i32
        %get3A_444 = arith.index_cast %add3A_443 : i32 to index
        %get3A_445 = arith.constant 32 : index
        %get3A_446 = tpu.vector_load %arg6[%get3A_444, %get3A_445] {strides = array<i32>} : memref<320x128xf32, #tpu.memory_space<vmem>>, vector<1x16xf32>,
        %get3A_447 = vector.shape_cast %get3A_446 : vector<1x16xf32> to vector<16xf32>
        %add3A_448 = arith.addf %add3A_439, %get3A_447 : vector<16xf32>
        %mul3A_449 = arith.constant 20 : i32
        %mul3A_450 = arith.muli %scan3A_28, %mul3A_449 : i32
        %add3A_451 = arith.constant 6 : i32
        %add3A_452 = arith.addi %mul3A_450, %add3A_451 : i32
        %get3A_453 = arith.index_cast %add3A_452 : i32 to index
        %get3A_454 = arith.constant 32 : index
        %get3A_455 = tpu.vector_load %arg6[%get3A_453, %get3A_454] {strides = array<i32>} : memref<320x128xf32, #tpu.memory_space<vmem>>, vector<1x16xf32>,
        %get3A_456 = vector.shape_cast %get3A_455 : vector<1x16xf32> to vector<16xf32>
        %add3A_457 = arith.addf %add3A_448, %get3A_456 : vector<16xf32>
        %mul3A_458 = arith.constant 20 : i32
        %mul3A_459 = arith.muli %scan3A_28, %mul3A_458 : i32
        %add3A_460 = arith.constant 7 : i32
        %add3A_461 = arith.addi %mul3A_459, %add3A_460 : i32
        %get3A_462 = arith.index_cast %add3A_461 : i32 to index
        %get3A_463 = arith.constant 32 : index
        %get3A_464 = tpu.vector_load %arg6[%get3A_462, %get3A_463] {strides = array<i32>} : memref<320x128xf32, #tpu.memory_space<vmem>>, vector<1x16xf32>,
        %get3A_465 = vector.shape_cast %get3A_464 : vector<1x16xf32> to vector<16xf32>
        %add3A_466 = arith.addf %add3A_457, %get3A_465 : vector<16xf32>
        %mul3A_467 = arith.constant 20 : i32
        %mul3A_468 = arith.muli %scan3A_28, %mul3A_467 : i32
        %add3A_469 = arith.constant 8 : i32
        %add3A_470 = arith.addi %mul3A_468, %add3A_469 : i32
        %get3A_471 = arith.index_cast %add3A_470 : i32 to index
        %get3A_472 = arith.constant 32 : index
        %get3A_473 = tpu.vector_load %arg6[%get3A_471, %get3A_472] {strides = array<i32>} : memref<320x128xf32, #tpu.memory_space<vmem>>, vector<1x16xf32>,
        %get3A_474 = vector.shape_cast %get3A_473 : vector<1x16xf32> to vector<16xf32>
        %add3A_475 = arith.addf %add3A_466, %get3A_474 : vector<16xf32>
        %mul3A_476 = arith.constant 20 : i32
        %mul3A_477 = arith.muli %scan3A_28, %mul3A_476 : i32
        %add3A_478 = arith.constant 9 : i32
        %add3A_479 = arith.addi %mul3A_477, %add3A_478 : i32
        %get3A_480 = arith.index_cast %add3A_479 : i32 to index
        %get3A_481 = arith.constant 32 : index
        %get3A_482 = tpu.vector_load %arg6[%get3A_480, %get3A_481] {strides = array<i32>} : memref<320x128xf32, #tpu.memory_space<vmem>>, vector<1x16xf32>,
        %get3A_483 = vector.shape_cast %get3A_482 : vector<1x16xf32> to vector<16xf32>
        %add3A_484 = arith.addf %add3A_475, %get3A_483 : vector<16xf32>
        %mul3A_485 = arith.constant 20 : i32
        %mul3A_486 = arith.muli %scan3A_28, %mul3A_485 : i32
        %add3A_487 = arith.constant 10 : i32
        %add3A_488 = arith.addi %mul3A_486, %add3A_487 : i32
        %get3A_489 = arith.index_cast %add3A_488 : i32 to index
        %get3A_490 = arith.constant 32 : index
        %get3A_491 = tpu.vector_load %arg6[%get3A_489, %get3A_490] {strides = array<i32>} : memref<320x128xf32, #tpu.memory_space<vmem>>, vector<1x16xf32>,
        %get3A_492 = vector.shape_cast %get3A_491 : vector<1x16xf32> to vector<16xf32>
        %add3A_493 = arith.addf %add3A_484, %get3A_492 : vector<16xf32>
        %mul3A_494 = arith.constant 20 : i32
        %mul3A_495 = arith.muli %scan3A_28, %mul3A_494 : i32
        %add3A_496 = arith.constant 11 : i32
        %add3A_497 = arith.addi %mul3A_495, %add3A_496 : i32
        %get3A_498 = arith.index_cast %add3A_497 : i32 to index
        %get3A_499 = arith.constant 32 : index
        %get3A_500 = tpu.vector_load %arg6[%get3A_498, %get3A_499] {strides = array<i32>} : memref<320x128xf32, #tpu.memory_space<vmem>>, vector<1x16xf32>,
        %get3A_501 = vector.shape_cast %get3A_500 : vector<1x16xf32> to vector<16xf32>
        %add3A_502 = arith.addf %add3A_493, %get3A_501 : vector<16xf32>
        %mul3A_503 = arith.constant 20 : i32
        %mul3A_504 = arith.muli %scan3A_28, %mul3A_503 : i32
        %add3A_505 = arith.constant 12 : i32
        %add3A_506 = arith.addi %mul3A_504, %add3A_505 : i32
        %get3A_507 = arith.index_cast %add3A_506 : i32 to index
        %get3A_508 = arith.constant 32 : index
        %get3A_509 = tpu.vector_load %arg6[%get3A_507, %get3A_508] {strides = array<i32>} : memref<320x128xf32, #tpu.memory_space<vmem>>, vector<1x16xf32>,
        %get3A_510 = vector.shape_cast %get3A_509 : vector<1x16xf32> to vector<16xf32>
        %add3A_511 = arith.addf %add3A_502, %get3A_510 : vector<16xf32>
        %mul3A_512 = arith.constant 20 : i32
        %mul3A_513 = arith.muli %scan3A_28, %mul3A_512 : i32
        %add3A_514 = arith.constant 13 : i32
        %add3A_515 = arith.addi %mul3A_513, %add3A_514 : i32
        %get3A_516 = arith.index_cast %add3A_515 : i32 to index
        %get3A_517 = arith.constant 32 : index
        %get3A_518 = tpu.vector_load %arg6[%get3A_516, %get3A_517] {strides = array<i32>} : memref<320x128xf32, #tpu.memory_space<vmem>>, vector<1x16xf32>,
        %get3A_519 = vector.shape_cast %get3A_518 : vector<1x16xf32> to vector<16xf32>
        %add3A_520 = arith.addf %add3A_511, %get3A_519 : vector<16xf32>
        %mul3A_521 = arith.constant 20 : i32
        %mul3A_522 = arith.muli %scan3A_28, %mul3A_521 : i32
        %add3A_523 = arith.constant 14 : i32
        %add3A_524 = arith.addi %mul3A_522, %add3A_523 : i32
        %get3A_525 = arith.index_cast %add3A_524 : i32 to index
        %get3A_526 = arith.constant 32 : index
        %get3A_527 = tpu.vector_load %arg6[%get3A_525, %get3A_526] {strides = array<i32>} : memref<320x128xf32, #tpu.memory_space<vmem>>, vector<1x16xf32>,
        %get3A_528 = vector.shape_cast %get3A_527 : vector<1x16xf32> to vector<16xf32>
        %add3A_529 = arith.addf %add3A_520, %get3A_528 : vector<16xf32>
        %mul3A_530 = arith.constant 20 : i32
        %mul3A_531 = arith.muli %scan3A_28, %mul3A_530 : i32
        %add3A_532 = arith.constant 15 : i32
        %add3A_533 = arith.addi %mul3A_531, %add3A_532 : i32
        %get3A_534 = arith.index_cast %add3A_533 : i32 to index
        %get3A_535 = arith.constant 32 : index
        %get3A_536 = tpu.vector_load %arg6[%get3A_534, %get3A_535] {strides = array<i32>} : memref<320x128xf32, #tpu.memory_space<vmem>>, vector<1x16xf32>,
        %get3A_537 = vector.shape_cast %get3A_536 : vector<1x16xf32> to vector<16xf32>
        %add3A_538 = arith.addf %add3A_529, %get3A_537 : vector<16xf32>
        %mul3A_539 = arith.constant 20 : i32
        %mul3A_540 = arith.muli %scan3A_28, %mul3A_539 : i32
        %add3A_541 = arith.constant 16 : i32
        %add3A_542 = arith.addi %mul3A_540, %add3A_541 : i32
        %get3A_543 = arith.index_cast %add3A_542 : i32 to index
        %get3A_544 = arith.constant 32 : index
        %get3A_545 = tpu.vector_load %arg6[%get3A_543, %get3A_544] {strides = array<i32>} : memref<320x128xf32, #tpu.memory_space<vmem>>, vector<1x16xf32>,
        %get3A_546 = vector.shape_cast %get3A_545 : vector<1x16xf32> to vector<16xf32>
        %add3A_547 = arith.addf %add3A_538, %get3A_546 : vector<16xf32>
        %mul3A_548 = arith.constant 20 : i32
        %mul3A_549 = arith.muli %scan3A_28, %mul3A_548 : i32
        %add3A_550 = arith.constant 17 : i32
        %add3A_551 = arith.addi %mul3A_549, %add3A_550 : i32
        %get3A_552 = arith.index_cast %add3A_551 : i32 to index
        %get3A_553 = arith.constant 32 : index
        %get3A_554 = tpu.vector_load %arg6[%get3A_552, %get3A_553] {strides = array<i32>} : memref<320x128xf32, #tpu.memory_space<vmem>>, vector<1x16xf32>,
        %get3A_555 = vector.shape_cast %get3A_554 : vector<1x16xf32> to vector<16xf32>
        %add3A_556 = arith.addf %add3A_547, %get3A_555 : vector<16xf32>
        %mul3A_557 = arith.constant 20 : i32
        %mul3A_558 = arith.muli %scan3A_28, %mul3A_557 : i32
        %add3A_559 = arith.constant 18 : i32
        %add3A_560 = arith.addi %mul3A_558, %add3A_559 : i32
        %get3A_561 = arith.index_cast %add3A_560 : i32 to index
        %get3A_562 = arith.constant 32 : index
        %get3A_563 = tpu.vector_load %arg6[%get3A_561, %get3A_562] {strides = array<i32>} : memref<320x128xf32, #tpu.memory_space<vmem>>, vector<1x16xf32>,
        %get3A_564 = vector.shape_cast %get3A_563 : vector<1x16xf32> to vector<16xf32>
        %add3A_565 = arith.addf %add3A_556, %get3A_564 : vector<16xf32>
        %mul3A_566 = arith.constant 20 : i32
        %mul3A_567 = arith.muli %scan3A_28, %mul3A_566 : i32
        %add3A_568 = arith.constant 19 : i32
        %add3A_569 = arith.addi %mul3A_567, %add3A_568 : i32
        %get3A_570 = arith.index_cast %add3A_569 : i32 to index
        %get3A_571 = arith.constant 32 : index
        %get3A_572 = tpu.vector_load %arg6[%get3A_570, %get3A_571] {strides = array<i32>} : memref<320x128xf32, #tpu.memory_space<vmem>>, vector<1x16xf32>,
        %get3A_573 = vector.shape_cast %get3A_572 : vector<1x16xf32> to vector<16xf32>
        %add3A_574 = arith.addf %add3A_565, %get3A_573 : vector<16xf32>
        %mul3A_575 = arith.constant 5.000000e-02 : f32
        %mul3A_576 = vector.broadcast %mul3A_575 : f32 to vector<16xf32>
        %mul3A_577 = arith.mulf %add3A_574, %mul3A_576 : vector<16xf32>
        %swap3A_578 = arith.index_cast %scan3A_28 : i32 to index
        %swap3A_579 = arith.constant 32 : index
        %swap3A_580 = tpu.vector_load %arg7[%swap3A_578, %swap3A_579] {strides = array<i32>} : memref<16x128xf32, #tpu.memory_space<vmem>>, vector<1x16xf32>,
        %swap3A_581 = vector.shape_cast %swap3A_580 : vector<1x16xf32> to vector<16xf32>
        %swap3A_582 = vector.shape_cast %mul3A_577 : vector<16xf32> to vector<1x16xf32>
        tpu.vector_store %arg7[%swap3A_578, %swap3A_579], %swap3A_582 {strides = array<i32>} : memref<16x128xf32, #tpu.memory_space<vmem>>, vector<1x16xf32>,
        %mul3A_583 = arith.constant 20 : i32
        %mul3A_584 = arith.muli %scan3A_28, %mul3A_583 : i32
        %get3A_585 = arith.index_cast %mul3A_584 : i32 to index
        %get3A_586 = arith.constant 48 : index
        %get3A_587 = tpu.vector_load %arg6[%get3A_585, %get3A_586] {strides = array<i32>} : memref<320x128xf32, #tpu.memory_space<vmem>>, vector<1x16xf32>,
        %get3A_588 = vector.shape_cast %get3A_587 : vector<1x16xf32> to vector<16xf32>
        %mul3A_589 = arith.constant 20 : i32
        %mul3A_590 = arith.muli %scan3A_28, %mul3A_589 : i32
        %add3A_591 = arith.constant 1 : i32
        %add3A_592 = arith.addi %mul3A_590, %add3A_591 : i32
        %get3A_593 = arith.index_cast %add3A_592 : i32 to index
        %get3A_594 = arith.constant 48 : index
        %get3A_595 = tpu.vector_load %arg6[%get3A_593, %get3A_594] {strides = array<i32>} : memref<320x128xf32, #tpu.memory_space<vmem>>, vector<1x16xf32>,
        %get3A_596 = vector.shape_cast %get3A_595 : vector<1x16xf32> to vector<16xf32>
        %add3A_597 = arith.addf %get3A_588, %get3A_596 : vector<16xf32>
        %mul3A_598 = arith.constant 20 : i32
        %mul3A_599 = arith.muli %scan3A_28, %mul3A_598 : i32
        %add3A_600 = arith.constant 2 : i32
        %add3A_601 = arith.addi %mul3A_599, %add3A_600 : i32
        %get3A_602 = arith.index_cast %add3A_601 : i32 to index
        %get3A_603 = arith.constant 48 : index
        %get3A_604 = tpu.vector_load %arg6[%get3A_602, %get3A_603] {strides = array<i32>} : memref<320x128xf32, #tpu.memory_space<vmem>>, vector<1x16xf32>,
        %get3A_605 = vector.shape_cast %get3A_604 : vector<1x16xf32> to vector<16xf32>
        %add3A_606 = arith.addf %add3A_597, %get3A_605 : vector<16xf32>
        %mul3A_607 = arith.constant 20 : i32
        %mul3A_608 = arith.muli %scan3A_28, %mul3A_607 : i32
        %add3A_609 = arith.constant 3 : i32
        %add3A_610 = arith.addi %mul3A_608, %add3A_609 : i32
        %get3A_611 = arith.index_cast %add3A_610 : i32 to index
        %get3A_612 = arith.constant 48 : index
        %get3A_613 = tpu.vector_load %arg6[%get3A_611, %get3A_612] {strides = array<i32>} : memref<320x128xf32, #tpu.memory_space<vmem>>, vector<1x16xf32>,
        %get3A_614 = vector.shape_cast %get3A_613 : vector<1x16xf32> to vector<16xf32>
        %add3A_615 = arith.addf %add3A_606, %get3A_614 : vector<16xf32>
        %mul3A_616 = arith.constant 20 : i32
        %mul3A_617 = arith.muli %scan3A_28, %mul3A_616 : i32
        %add3A_618 = arith.constant 4 : i32
        %add3A_619 = arith.addi %mul3A_617, %add3A_618 : i32
        %get3A_620 = arith.index_cast %add3A_619 : i32 to index
        %get3A_621 = arith.constant 48 : index
        %get3A_622 = tpu.vector_load %arg6[%get3A_620, %get3A_621] {strides = array<i32>} : memref<320x128xf32, #tpu.memory_space<vmem>>, vector<1x16xf32>,
        %get3A_623 = vector.shape_cast %get3A_622 : vector<1x16xf32> to vector<16xf32>
        %add3A_624 = arith.addf %add3A_615, %get3A_623 : vector<16xf32>
        %mul3A_625 = arith.constant 20 : i32
        %mul3A_626 = arith.muli %scan3A_28, %mul3A_625 : i32
        %add3A_627 = arith.constant 5 : i32
        %add3A_628 = arith.addi %mul3A_626, %add3A_627 : i32
        %get3A_629 = arith.index_cast %add3A_628 : i32 to index
        %get3A_630 = arith.constant 48 : index
        %get3A_631 = tpu.vector_load %arg6[%get3A_629, %get3A_630] {strides = array<i32>} : memref<320x128xf32, #tpu.memory_space<vmem>>, vector<1x16xf32>,
        %get3A_632 = vector.shape_cast %get3A_631 : vector<1x16xf32> to vector<16xf32>
        %add3A_633 = arith.addf %add3A_624, %get3A_632 : vector<16xf32>
        %mul3A_634 = arith.constant 20 : i32
        %mul3A_635 = arith.muli %scan3A_28, %mul3A_634 : i32
        %add3A_636 = arith.constant 6 : i32
        %add3A_637 = arith.addi %mul3A_635, %add3A_636 : i32
        %get3A_638 = arith.index_cast %add3A_637 : i32 to index
        %get3A_639 = arith.constant 48 : index
        %get3A_640 = tpu.vector_load %arg6[%get3A_638, %get3A_639] {strides = array<i32>} : memref<320x128xf32, #tpu.memory_space<vmem>>, vector<1x16xf32>,
        %get3A_641 = vector.shape_cast %get3A_640 : vector<1x16xf32> to vector<16xf32>
        %add3A_642 = arith.addf %add3A_633, %get3A_641 : vector<16xf32>
        %mul3A_643 = arith.constant 20 : i32
        %mul3A_644 = arith.muli %scan3A_28, %mul3A_643 : i32
        %add3A_645 = arith.constant 7 : i32
        %add3A_646 = arith.addi %mul3A_644, %add3A_645 : i32
        %get3A_647 = arith.index_cast %add3A_646 : i32 to index
        %get3A_648 = arith.constant 48 : index
        %get3A_649 = tpu.vector_load %arg6[%get3A_647, %get3A_648] {strides = array<i32>} : memref<320x128xf32, #tpu.memory_space<vmem>>, vector<1x16xf32>,
        %get3A_650 = vector.shape_cast %get3A_649 : vector<1x16xf32> to vector<16xf32>
        %add3A_651 = arith.addf %add3A_642, %get3A_650 : vector<16xf32>
        %mul3A_652 = arith.constant 20 : i32
        %mul3A_653 = arith.muli %scan3A_28, %mul3A_652 : i32
        %add3A_654 = arith.constant 8 : i32
        %add3A_655 = arith.addi %mul3A_653, %add3A_654 : i32
        %get3A_656 = arith.index_cast %add3A_655 : i32 to index
        %get3A_657 = arith.constant 48 : index
        %get3A_658 = tpu.vector_load %arg6[%get3A_656, %get3A_657] {strides = array<i32>} : memref<320x128xf32, #tpu.memory_space<vmem>>, vector<1x16xf32>,
        %get3A_659 = vector.shape_cast %get3A_658 : vector<1x16xf32> to vector<16xf32>
        %add3A_660 = arith.addf %add3A_651, %get3A_659 : vector<16xf32>
        %mul3A_661 = arith.constant 20 : i32
        %mul3A_662 = arith.muli %scan3A_28, %mul3A_661 : i32
        %add3A_663 = arith.constant 9 : i32
        %add3A_664 = arith.addi %mul3A_662, %add3A_663 : i32
        %get3A_665 = arith.index_cast %add3A_664 : i32 to index
        %get3A_666 = arith.constant 48 : index
        %get3A_667 = tpu.vector_load %arg6[%get3A_665, %get3A_666] {strides = array<i32>} : memref<320x128xf32, #tpu.memory_space<vmem>>, vector<1x16xf32>,
        %get3A_668 = vector.shape_cast %get3A_667 : vector<1x16xf32> to vector<16xf32>
        %add3A_669 = arith.addf %add3A_660, %get3A_668 : vector<16xf32>
        %mul3A_670 = arith.constant 20 : i32
        %mul3A_671 = arith.muli %scan3A_28, %mul3A_670 : i32
        %add3A_672 = arith.constant 10 : i32
        %add3A_673 = arith.addi %mul3A_671, %add3A_672 : i32
        %get3A_674 = arith.index_cast %add3A_673 : i32 to index
        %get3A_675 = arith.constant 48 : index
        %get3A_676 = tpu.vector_load %arg6[%get3A_674, %get3A_675] {strides = array<i32>} : memref<320x128xf32, #tpu.memory_space<vmem>>, vector<1x16xf32>,
        %get3A_677 = vector.shape_cast %get3A_676 : vector<1x16xf32> to vector<16xf32>
        %add3A_678 = arith.addf %add3A_669, %get3A_677 : vector<16xf32>
        %mul3A_679 = arith.constant 20 : i32
        %mul3A_680 = arith.muli %scan3A_28, %mul3A_679 : i32
        %add3A_681 = arith.constant 11 : i32
        %add3A_682 = arith.addi %mul3A_680, %add3A_681 : i32
        %get3A_683 = arith.index_cast %add3A_682 : i32 to index
        %get3A_684 = arith.constant 48 : index
        %get3A_685 = tpu.vector_load %arg6[%get3A_683, %get3A_684] {strides = array<i32>} : memref<320x128xf32, #tpu.memory_space<vmem>>, vector<1x16xf32>,
        %get3A_686 = vector.shape_cast %get3A_685 : vector<1x16xf32> to vector<16xf32>
        %add3A_687 = arith.addf %add3A_678, %get3A_686 : vector<16xf32>
        %mul3A_688 = arith.constant 20 : i32
        %mul3A_689 = arith.muli %scan3A_28, %mul3A_688 : i32
        %add3A_690 = arith.constant 12 : i32
        %add3A_691 = arith.addi %mul3A_689, %add3A_690 : i32
        %get3A_692 = arith.index_cast %add3A_691 : i32 to index
        %get3A_693 = arith.constant 48 : index
        %get3A_694 = tpu.vector_load %arg6[%get3A_692, %get3A_693] {strides = array<i32>} : memref<320x128xf32, #tpu.memory_space<vmem>>, vector<1x16xf32>,
        %get3A_695 = vector.shape_cast %get3A_694 : vector<1x16xf32> to vector<16xf32>
        %add3A_696 = arith.addf %add3A_687, %get3A_695 : vector<16xf32>
        %mul3A_697 = arith.constant 20 : i32
        %mul3A_698 = arith.muli %scan3A_28, %mul3A_697 : i32
        %add3A_699 = arith.constant 13 : i32
        %add3A_700 = arith.addi %mul3A_698, %add3A_699 : i32
        %get3A_701 = arith.index_cast %add3A_700 : i32 to index
        %get3A_702 = arith.constant 48 : index
        %get3A_703 = tpu.vector_load %arg6[%get3A_701, %get3A_702] {strides = array<i32>} : memref<320x128xf32, #tpu.memory_space<vmem>>, vector<1x16xf32>,
        %get3A_704 = vector.shape_cast %get3A_703 : vector<1x16xf32> to vector<16xf32>
        %add3A_705 = arith.addf %add3A_696, %get3A_704 : vector<16xf32>
        %mul3A_706 = arith.constant 20 : i32
        %mul3A_707 = arith.muli %scan3A_28, %mul3A_706 : i32
        %add3A_708 = arith.constant 14 : i32
        %add3A_709 = arith.addi %mul3A_707, %add3A_708 : i32
        %get3A_710 = arith.index_cast %add3A_709 : i32 to index
        %get3A_711 = arith.constant 48 : index
        %get3A_712 = tpu.vector_load %arg6[%get3A_710, %get3A_711] {strides = array<i32>} : memref<320x128xf32, #tpu.memory_space<vmem>>, vector<1x16xf32>,
        %get3A_713 = vector.shape_cast %get3A_712 : vector<1x16xf32> to vector<16xf32>
        %add3A_714 = arith.addf %add3A_705, %get3A_713 : vector<16xf32>
        %mul3A_715 = arith.constant 20 : i32
        %mul3A_716 = arith.muli %scan3A_28, %mul3A_715 : i32
        %add3A_717 = arith.constant 15 : i32
        %add3A_718 = arith.addi %mul3A_716, %add3A_717 : i32
        %get3A_719 = arith.index_cast %add3A_718 : i32 to index
        %get3A_720 = arith.constant 48 : index
        %get3A_721 = tpu.vector_load %arg6[%get3A_719, %get3A_720] {strides = array<i32>} : memref<320x128xf32, #tpu.memory_space<vmem>>, vector<1x16xf32>,
        %get3A_722 = vector.shape_cast %get3A_721 : vector<1x16xf32> to vector<16xf32>
        %add3A_723 = arith.addf %add3A_714, %get3A_722 : vector<16xf32>
        %mul3A_724 = arith.constant 20 : i32
        %mul3A_725 = arith.muli %scan3A_28, %mul3A_724 : i32
        %add3A_726 = arith.constant 16 : i32
        %add3A_727 = arith.addi %mul3A_725, %add3A_726 : i32
        %get3A_728 = arith.index_cast %add3A_727 : i32 to index
        %get3A_729 = arith.constant 48 : index
        %get3A_730 = tpu.vector_load %arg6[%get3A_728, %get3A_729] {strides = array<i32>} : memref<320x128xf32, #tpu.memory_space<vmem>>, vector<1x16xf32>,
        %get3A_731 = vector.shape_cast %get3A_730 : vector<1x16xf32> to vector<16xf32>
        %add3A_732 = arith.addf %add3A_723, %get3A_731 : vector<16xf32>
        %mul3A_733 = arith.constant 20 : i32
        %mul3A_734 = arith.muli %scan3A_28, %mul3A_733 : i32
        %add3A_735 = arith.constant 17 : i32
        %add3A_736 = arith.addi %mul3A_734, %add3A_735 : i32
        %get3A_737 = arith.index_cast %add3A_736 : i32 to index
        %get3A_738 = arith.constant 48 : index
        %get3A_739 = tpu.vector_load %arg6[%get3A_737, %get3A_738] {strides = array<i32>} : memref<320x128xf32, #tpu.memory_space<vmem>>, vector<1x16xf32>,
        %get3A_740 = vector.shape_cast %get3A_739 : vector<1x16xf32> to vector<16xf32>
        %add3A_741 = arith.addf %add3A_732, %get3A_740 : vector<16xf32>
        %mul3A_742 = arith.constant 20 : i32
        %mul3A_743 = arith.muli %scan3A_28, %mul3A_742 : i32
        %add3A_744 = arith.constant 18 : i32
        %add3A_745 = arith.addi %mul3A_743, %add3A_744 : i32
        %get3A_746 = arith.index_cast %add3A_745 : i32 to index
        %get3A_747 = arith.constant 48 : index
        %get3A_748 = tpu.vector_load %arg6[%get3A_746, %get3A_747] {strides = array<i32>} : memref<320x128xf32, #tpu.memory_space<vmem>>, vector<1x16xf32>,
        %get3A_749 = vector.shape_cast %get3A_748 : vector<1x16xf32> to vector<16xf32>
        %add3A_750 = arith.addf %add3A_741, %get3A_749 : vector<16xf32>
        %mul3A_751 = arith.constant 20 : i32
        %mul3A_752 = arith.muli %scan3A_28, %mul3A_751 : i32
        %add3A_753 = arith.constant 19 : i32
        %add3A_754 = arith.addi %mul3A_752, %add3A_753 : i32
        %get3A_755 = arith.index_cast %add3A_754 : i32 to index
        %get3A_756 = arith.constant 48 : index
        %get3A_757 = tpu.vector_load %arg6[%get3A_755, %get3A_756] {strides = array<i32>} : memref<320x128xf32, #tpu.memory_space<vmem>>, vector<1x16xf32>,
        %get3A_758 = vector.shape_cast %get3A_757 : vector<1x16xf32> to vector<16xf32>
        %add3A_759 = arith.addf %add3A_750, %get3A_758 : vector<16xf32>
        %mul3A_760 = arith.constant 5.000000e-02 : f32
        %mul3A_761 = vector.broadcast %mul3A_760 : f32 to vector<16xf32>
        %mul3A_762 = arith.mulf %add3A_759, %mul3A_761 : vector<16xf32>
        %swap3A_763 = arith.index_cast %scan3A_28 : i32 to index
        %swap3A_764 = arith.constant 48 : index
        %swap3A_765 = tpu.vector_load %arg7[%swap3A_763, %swap3A_764] {strides = array<i32>} : memref<16x128xf32, #tpu.memory_space<vmem>>, vector<1x16xf32>,
        %swap3A_766 = vector.shape_cast %swap3A_765 : vector<1x16xf32> to vector<16xf32>
        %swap3A_767 = vector.shape_cast %mul3A_762 : vector<16xf32> to vector<1x16xf32>
        tpu.vector_store %arg7[%swap3A_763, %swap3A_764], %swap3A_767 {strides = array<i32>} : memref<16x128xf32, #tpu.memory_space<vmem>>, vector<1x16xf32>,
        %mul3A_768 = arith.constant 20 : i32
        %mul3A_769 = arith.muli %scan3A_28, %mul3A_768 : i32
        %get3A_770 = arith.index_cast %mul3A_769 : i32 to index
        %get3A_771 = arith.constant 64 : index
        %get3A_772 = tpu.vector_load %arg6[%get3A_770, %get3A_771] {strides = array<i32>} : memref<320x128xf32, #tpu.memory_space<vmem>>, vector<1x16xf32>,
        %get3A_773 = vector.shape_cast %get3A_772 : vector<1x16xf32> to vector<16xf32>
        %mul3A_774 = arith.constant 20 : i32
        %mul3A_775 = arith.muli %scan3A_28, %mul3A_774 : i32
        %add3A_776 = arith.constant 1 : i32
        %add3A_777 = arith.addi %mul3A_775, %add3A_776 : i32
        %get3A_778 = arith.index_cast %add3A_777 : i32 to index
        %get3A_779 = arith.constant 64 : index
        %get3A_780 = tpu.vector_load %arg6[%get3A_778, %get3A_779] {strides = array<i32>} : memref<320x128xf32, #tpu.memory_space<vmem>>, vector<1x16xf32>,
        %get3A_781 = vector.shape_cast %get3A_780 : vector<1x16xf32> to vector<16xf32>
        %add3A_782 = arith.addf %get3A_773, %get3A_781 : vector<16xf32>
        %mul3A_783 = arith.constant 20 : i32
        %mul3A_784 = arith.muli %scan3A_28, %mul3A_783 : i32
        %add3A_785 = arith.constant 2 : i32
        %add3A_786 = arith.addi %mul3A_784, %add3A_785 : i32
        %get3A_787 = arith.index_cast %add3A_786 : i32 to index
        %get3A_788 = arith.constant 64 : index
        %get3A_789 = tpu.vector_load %arg6[%get3A_787, %get3A_788] {strides = array<i32>} : memref<320x128xf32, #tpu.memory_space<vmem>>, vector<1x16xf32>,
        %get3A_790 = vector.shape_cast %get3A_789 : vector<1x16xf32> to vector<16xf32>
        %add3A_791 = arith.addf %add3A_782, %get3A_790 : vector<16xf32>
        %mul3A_792 = arith.constant 20 : i32
        %mul3A_793 = arith.muli %scan3A_28, %mul3A_792 : i32
        %add3A_794 = arith.constant 3 : i32
        %add3A_795 = arith.addi %mul3A_793, %add3A_794 : i32
        %get3A_796 = arith.index_cast %add3A_795 : i32 to index
        %get3A_797 = arith.constant 64 : index
        %get3A_798 = tpu.vector_load %arg6[%get3A_796, %get3A_797] {strides = array<i32>} : memref<320x128xf32, #tpu.memory_space<vmem>>, vector<1x16xf32>,
        %get3A_799 = vector.shape_cast %get3A_798 : vector<1x16xf32> to vector<16xf32>
        %add3A_800 = arith.addf %add3A_791, %get3A_799 : vector<16xf32>
        %mul3A_801 = arith.constant 20 : i32
        %mul3A_802 = arith.muli %scan3A_28, %mul3A_801 : i32
        %add3A_803 = arith.constant 4 : i32
        %add3A_804 = arith.addi %mul3A_802, %add3A_803 : i32
        %get3A_805 = arith.index_cast %add3A_804 : i32 to index
        %get3A_806 = arith.constant 64 : index
        %get3A_807 = tpu.vector_load %arg6[%get3A_805, %get3A_806] {strides = array<i32>} : memref<320x128xf32, #tpu.memory_space<vmem>>, vector<1x16xf32>,
        %get3A_808 = vector.shape_cast %get3A_807 : vector<1x16xf32> to vector<16xf32>
        %add3A_809 = arith.addf %add3A_800, %get3A_808 : vector<16xf32>
        %mul3A_810 = arith.constant 20 : i32
        %mul3A_811 = arith.muli %scan3A_28, %mul3A_810 : i32
        %add3A_812 = arith.constant 5 : i32
        %add3A_813 = arith.addi %mul3A_811, %add3A_812 : i32
        %get3A_814 = arith.index_cast %add3A_813 : i32 to index
        %get3A_815 = arith.constant 64 : index
        %get3A_816 = tpu.vector_load %arg6[%get3A_814, %get3A_815] {strides = array<i32>} : memref<320x128xf32, #tpu.memory_space<vmem>>, vector<1x16xf32>,
        %get3A_817 = vector.shape_cast %get3A_816 : vector<1x16xf32> to vector<16xf32>
        %add3A_818 = arith.addf %add3A_809, %get3A_817 : vector<16xf32>
        %mul3A_819 = arith.constant 20 : i32
        %mul3A_820 = arith.muli %scan3A_28, %mul3A_819 : i32
        %add3A_821 = arith.constant 6 : i32
        %add3A_822 = arith.addi %mul3A_820, %add3A_821 : i32
        %get3A_823 = arith.index_cast %add3A_822 : i32 to index
        %get3A_824 = arith.constant 64 : index
        %get3A_825 = tpu.vector_load %arg6[%get3A_823, %get3A_824] {strides = array<i32>} : memref<320x128xf32, #tpu.memory_space<vmem>>, vector<1x16xf32>,
        %get3A_826 = vector.shape_cast %get3A_825 : vector<1x16xf32> to vector<16xf32>
        %add3A_827 = arith.addf %add3A_818, %get3A_826 : vector<16xf32>
        %mul3A_828 = arith.constant 20 : i32
        %mul3A_829 = arith.muli %scan3A_28, %mul3A_828 : i32
        %add3A_830 = arith.constant 7 : i32
        %add3A_831 = arith.addi %mul3A_829, %add3A_830 : i32
        %get3A_832 = arith.index_cast %add3A_831 : i32 to index
        %get3A_833 = arith.constant 64 : index
        %get3A_834 = tpu.vector_load %arg6[%get3A_832, %get3A_833] {strides = array<i32>} : memref<320x128xf32, #tpu.memory_space<vmem>>, vector<1x16xf32>,
        %get3A_835 = vector.shape_cast %get3A_834 : vector<1x16xf32> to vector<16xf32>
        %add3A_836 = arith.addf %add3A_827, %get3A_835 : vector<16xf32>
        %mul3A_837 = arith.constant 20 : i32
        %mul3A_838 = arith.muli %scan3A_28, %mul3A_837 : i32
        %add3A_839 = arith.constant 8 : i32
        %add3A_840 = arith.addi %mul3A_838, %add3A_839 : i32
        %get3A_841 = arith.index_cast %add3A_840 : i32 to index
        %get3A_842 = arith.constant 64 : index
        %get3A_843 = tpu.vector_load %arg6[%get3A_841, %get3A_842] {strides = array<i32>} : memref<320x128xf32, #tpu.memory_space<vmem>>, vector<1x16xf32>,
        %get3A_844 = vector.shape_cast %get3A_843 : vector<1x16xf32> to vector<16xf32>
        %add3A_845 = arith.addf %add3A_836, %get3A_844 : vector<16xf32>
        %mul3A_846 = arith.constant 20 : i32
        %mul3A_847 = arith.muli %scan3A_28, %mul3A_846 : i32
        %add3A_848 = arith.constant 9 : i32
        %add3A_849 = arith.addi %mul3A_847, %add3A_848 : i32
        %get3A_850 = arith.index_cast %add3A_849 : i32 to index
        %get3A_851 = arith.constant 64 : index
        %get3A_852 = tpu.vector_load %arg6[%get3A_850, %get3A_851] {strides = array<i32>} : memref<320x128xf32, #tpu.memory_space<vmem>>, vector<1x16xf32>,
        %get3A_853 = vector.shape_cast %get3A_852 : vector<1x16xf32> to vector<16xf32>
        %add3A_854 = arith.addf %add3A_845, %get3A_853 : vector<16xf32>
        %mul3A_855 = arith.constant 20 : i32
        %mul3A_856 = arith.muli %scan3A_28, %mul3A_855 : i32
        %add3A_857 = arith.constant 10 : i32
        %add3A_858 = arith.addi %mul3A_856, %add3A_857 : i32
        %get3A_859 = arith.index_cast %add3A_858 : i32 to index
        %get3A_860 = arith.constant 64 : index
        %get3A_861 = tpu.vector_load %arg6[%get3A_859, %get3A_860] {strides = array<i32>} : memref<320x128xf32, #tpu.memory_space<vmem>>, vector<1x16xf32>,
        %get3A_862 = vector.shape_cast %get3A_861 : vector<1x16xf32> to vector<16xf32>
        %add3A_863 = arith.addf %add3A_854, %get3A_862 : vector<16xf32>
        %mul3A_864 = arith.constant 20 : i32
        %mul3A_865 = arith.muli %scan3A_28, %mul3A_864 : i32
        %add3A_866 = arith.constant 11 : i32
        %add3A_867 = arith.addi %mul3A_865, %add3A_866 : i32
        %get3A_868 = arith.index_cast %add3A_867 : i32 to index
        %get3A_869 = arith.constant 64 : index
        %get3A_870 = tpu.vector_load %arg6[%get3A_868, %get3A_869] {strides = array<i32>} : memref<320x128xf32, #tpu.memory_space<vmem>>, vector<1x16xf32>,
        %get3A_871 = vector.shape_cast %get3A_870 : vector<1x16xf32> to vector<16xf32>
        %add3A_872 = arith.addf %add3A_863, %get3A_871 : vector<16xf32>
        %mul3A_873 = arith.constant 20 : i32
        %mul3A_874 = arith.muli %scan3A_28, %mul3A_873 : i32
        %add3A_875 = arith.constant 12 : i32
        %add3A_876 = arith.addi %mul3A_874, %add3A_875 : i32
        %get3A_877 = arith.index_cast %add3A_876 : i32 to index
        %get3A_878 = arith.constant 64 : index
        %get3A_879 = tpu.vector_load %arg6[%get3A_877, %get3A_878] {strides = array<i32>} : memref<320x128xf32, #tpu.memory_space<vmem>>, vector<1x16xf32>,
        %get3A_880 = vector.shape_cast %get3A_879 : vector<1x16xf32> to vector<16xf32>
        %add3A_881 = arith.addf %add3A_872, %get3A_880 : vector<16xf32>
        %mul3A_882 = arith.constant 20 : i32
        %mul3A_883 = arith.muli %scan3A_28, %mul3A_882 : i32
        %add3A_884 = arith.constant 13 : i32
        %add3A_885 = arith.addi %mul3A_883, %add3A_884 : i32
        %get3A_886 = arith.index_cast %add3A_885 : i32 to index
        %get3A_887 = arith.constant 64 : index
        %get3A_888 = tpu.vector_load %arg6[%get3A_886, %get3A_887] {strides = array<i32>} : memref<320x128xf32, #tpu.memory_space<vmem>>, vector<1x16xf32>,
        %get3A_889 = vector.shape_cast %get3A_888 : vector<1x16xf32> to vector<16xf32>
        %add3A_890 = arith.addf %add3A_881, %get3A_889 : vector<16xf32>
        %mul3A_891 = arith.constant 20 : i32
        %mul3A_892 = arith.muli %scan3A_28, %mul3A_891 : i32
        %add3A_893 = arith.constant 14 : i32
        %add3A_894 = arith.addi %mul3A_892, %add3A_893 : i32
        %get3A_895 = arith.index_cast %add3A_894 : i32 to index
        %get3A_896 = arith.constant 64 : index
        %get3A_897 = tpu.vector_load %arg6[%get3A_895, %get3A_896] {strides = array<i32>} : memref<320x128xf32, #tpu.memory_space<vmem>>, vector<1x16xf32>,
        %get3A_898 = vector.shape_cast %get3A_897 : vector<1x16xf32> to vector<16xf32>
        %add3A_899 = arith.addf %add3A_890, %get3A_898 : vector<16xf32>
        %mul3A_900 = arith.constant 20 : i32
        %mul3A_901 = arith.muli %scan3A_28, %mul3A_900 : i32
        %add3A_902 = arith.constant 15 : i32
        %add3A_903 = arith.addi %mul3A_901, %add3A_902 : i32
        %get3A_904 = arith.index_cast %add3A_903 : i32 to index
        %get3A_905 = arith.constant 64 : index
        %get3A_906 = tpu.vector_load %arg6[%get3A_904, %get3A_905] {strides = array<i32>} : memref<320x128xf32, #tpu.memory_space<vmem>>, vector<1x16xf32>,
        %get3A_907 = vector.shape_cast %get3A_906 : vector<1x16xf32> to vector<16xf32>
        %add3A_908 = arith.addf %add3A_899, %get3A_907 : vector<16xf32>
        %mul3A_909 = arith.constant 20 : i32
        %mul3A_910 = arith.muli %scan3A_28, %mul3A_909 : i32
        %add3A_911 = arith.constant 16 : i32
        %add3A_912 = arith.addi %mul3A_910, %add3A_911 : i32
        %get3A_913 = arith.index_cast %add3A_912 : i32 to index
        %get3A_914 = arith.constant 64 : index
        %get3A_915 = tpu.vector_load %arg6[%get3A_913, %get3A_914] {strides = array<i32>} : memref<320x128xf32, #tpu.memory_space<vmem>>, vector<1x16xf32>,
        %get3A_916 = vector.shape_cast %get3A_915 : vector<1x16xf32> to vector<16xf32>
        %add3A_917 = arith.addf %add3A_908, %get3A_916 : vector<16xf32>
        %mul3A_918 = arith.constant 20 : i32
        %mul3A_919 = arith.muli %scan3A_28, %mul3A_918 : i32
        %add3A_920 = arith.constant 17 : i32
        %add3A_921 = arith.addi %mul3A_919, %add3A_920 : i32
        %get3A_922 = arith.index_cast %add3A_921 : i32 to index
        %get3A_923 = arith.constant 64 : index
        %get3A_924 = tpu.vector_load %arg6[%get3A_922, %get3A_923] {strides = array<i32>} : memref<320x128xf32, #tpu.memory_space<vmem>>, vector<1x16xf32>,
        %get3A_925 = vector.shape_cast %get3A_924 : vector<1x16xf32> to vector<16xf32>
        %add3A_926 = arith.addf %add3A_917, %get3A_925 : vector<16xf32>
        %mul3A_927 = arith.constant 20 : i32
        %mul3A_928 = arith.muli %scan3A_28, %mul3A_927 : i32
        %add3A_929 = arith.constant 18 : i32
        %add3A_930 = arith.addi %mul3A_928, %add3A_929 : i32
        %get3A_931 = arith.index_cast %add3A_930 : i32 to index
        %get3A_932 = arith.constant 64 : index
        %get3A_933 = tpu.vector_load %arg6[%get3A_931, %get3A_932] {strides = array<i32>} : memref<320x128xf32, #tpu.memory_space<vmem>>, vector<1x16xf32>,
        %get3A_934 = vector.shape_cast %get3A_933 : vector<1x16xf32> to vector<16xf32>
        %add3A_935 = arith.addf %add3A_926, %get3A_934 : vector<16xf32>
        %mul3A_936 = arith.constant 20 : i32
        %mul3A_937 = arith.muli %scan3A_28, %mul3A_936 : i32
        %add3A_938 = arith.constant 19 : i32
        %add3A_939 = arith.addi %mul3A_937, %add3A_938 : i32
        %get3A_940 = arith.index_cast %add3A_939 : i32 to index
        %get3A_941 = arith.constant 64 : index
        %get3A_942 = tpu.vector_load %arg6[%get3A_940, %get3A_941] {strides = array<i32>} : memref<320x128xf32, #tpu.memory_space<vmem>>, vector<1x16xf32>,
        %get3A_943 = vector.shape_cast %get3A_942 : vector<1x16xf32> to vector<16xf32>
        %add3A_944 = arith.addf %add3A_935, %get3A_943 : vector<16xf32>
        %mul3A_945 = arith.constant 5.000000e-02 : f32
        %mul3A_946 = vector.broadcast %mul3A_945 : f32 to vector<16xf32>
        %mul3A_947 = arith.mulf %add3A_944, %mul3A_946 : vector<16xf32>
        %swap3A_948 = arith.index_cast %scan3A_28 : i32 to index
        %swap3A_949 = arith.constant 64 : index
        %swap3A_950 = tpu.vector_load %arg7[%swap3A_948, %swap3A_949] {strides = array<i32>} : memref<16x128xf32, #tpu.memory_space<vmem>>, vector<1x16xf32>,
        %swap3A_951 = vector.shape_cast %swap3A_950 : vector<1x16xf32> to vector<16xf32>
        %swap3A_952 = vector.shape_cast %mul3A_947 : vector<16xf32> to vector<1x16xf32>
        tpu.vector_store %arg7[%swap3A_948, %swap3A_949], %swap3A_952 {strides = array<i32>} : memref<16x128xf32, #tpu.memory_space<vmem>>, vector<1x16xf32>,
        %mul3A_953 = arith.constant 20 : i32
        %mul3A_954 = arith.muli %scan3A_28, %mul3A_953 : i32
        %get3A_955 = arith.index_cast %mul3A_954 : i32 to index
        %get3A_956 = arith.constant 80 : index
        %get3A_957 = tpu.vector_load %arg6[%get3A_955, %get3A_956] {strides = array<i32>} : memref<320x128xf32, #tpu.memory_space<vmem>>, vector<1x16xf32>,
        %get3A_958 = vector.shape_cast %get3A_957 : vector<1x16xf32> to vector<16xf32>
        %mul3A_959 = arith.constant 20 : i32
        %mul3A_960 = arith.muli %scan3A_28, %mul3A_959 : i32
        %add3A_961 = arith.constant 1 : i32
        %add3A_962 = arith.addi %mul3A_960, %add3A_961 : i32
        %get3A_963 = arith.index_cast %add3A_962 : i32 to index
        %get3A_964 = arith.constant 80 : index
        %get3A_965 = tpu.vector_load %arg6[%get3A_963, %get3A_964] {strides = array<i32>} : memref<320x128xf32, #tpu.memory_space<vmem>>, vector<1x16xf32>,
        %get3A_966 = vector.shape_cast %get3A_965 : vector<1x16xf32> to vector<16xf32>
        %add3A_967 = arith.addf %get3A_958, %get3A_966 : vector<16xf32>
        %mul3A_968 = arith.constant 20 : i32
        %mul3A_969 = arith.muli %scan3A_28, %mul3A_968 : i32
        %add3A_970 = arith.constant 2 : i32
        %add3A_971 = arith.addi %mul3A_969, %add3A_970 : i32
        %get3A_972 = arith.index_cast %add3A_971 : i32 to index
        %get3A_973 = arith.constant 80 : index
        %get3A_974 = tpu.vector_load %arg6[%get3A_972, %get3A_973] {strides = array<i32>} : memref<320x128xf32, #tpu.memory_space<vmem>>, vector<1x16xf32>,
        %get3A_975 = vector.shape_cast %get3A_974 : vector<1x16xf32> to vector<16xf32>
        %add3A_976 = arith.addf %add3A_967, %get3A_975 : vector<16xf32>
        %mul3A_977 = arith.constant 20 : i32
        %mul3A_978 = arith.muli %scan3A_28, %mul3A_977 : i32
        %add3A_979 = arith.constant 3 : i32
        %add3A_980 = arith.addi %mul3A_978, %add3A_979 : i32
        %get3A_981 = arith.index_cast %add3A_980 : i32 to index
        %get3A_982 = arith.constant 80 : index
        %get3A_983 = tpu.vector_load %arg6[%get3A_981, %get3A_982] {strides = array<i32>} : memref<320x128xf32, #tpu.memory_space<vmem>>, vector<1x16xf32>,
        %get3A_984 = vector.shape_cast %get3A_983 : vector<1x16xf32> to vector<16xf32>
        %add3A_985 = arith.addf %add3A_976, %get3A_984 : vector<16xf32>
        %mul3A_986 = arith.constant 20 : i32
        %mul3A_987 = arith.muli %scan3A_28, %mul3A_986 : i32
        %add3A_988 = arith.constant 4 : i32
        %add3A_989 = arith.addi %mul3A_987, %add3A_988 : i32
        %get3A_990 = arith.index_cast %add3A_989 : i32 to index
        %get3A_991 = arith.constant 80 : index
        %get3A_992 = tpu.vector_load %arg6[%get3A_990, %get3A_991] {strides = array<i32>} : memref<320x128xf32, #tpu.memory_space<vmem>>, vector<1x16xf32>,
        %get3A_993 = vector.shape_cast %get3A_992 : vector<1x16xf32> to vector<16xf32>
        %add3A_994 = arith.addf %add3A_985, %get3A_993 : vector<16xf32>
        %mul3A_995 = arith.constant 20 : i32
        %mul3A_996 = arith.muli %scan3A_28, %mul3A_995 : i32
        %add3A_997 = arith.constant 5 : i32
        %add3A_998 = arith.addi %mul3A_996, %add3A_997 : i32
        %get3A_999 = arith.index_cast %add3A_998 : i32 to index
        %get3A_1000 = arith.constant 80 : index
        %get3A_1001 = tpu.vector_load %arg6[%get3A_999, %get3A_1000] {strides = array<i32>} : memref<320x128xf32, #tpu.memory_space<vmem>>, vector<1x16xf32>,
        %get3A_1002 = vector.shape_cast %get3A_1001 : vector<1x16xf32> to vector<16xf32>
        %add3A_1003 = arith.addf %add3A_994, %get3A_1002 : vector<16xf32>
        %mul3A_1004 = arith.constant 20 : i32
        %mul3A_1005 = arith.muli %scan3A_28, %mul3A_1004 : i32
        %add3A_1006 = arith.constant 6 : i32
        %add3A_1007 = arith.addi %mul3A_1005, %add3A_1006 : i32
        %get3A_1008 = arith.index_cast %add3A_1007 : i32 to index
        %get3A_1009 = arith.constant 80 : index
        %get3A_1010 = tpu.vector_load %arg6[%get3A_1008, %get3A_1009] {strides = array<i32>} : memref<320x128xf32, #tpu.memory_space<vmem>>, vector<1x16xf32>,
        %get3A_1011 = vector.shape_cast %get3A_1010 : vector<1x16xf32> to vector<16xf32>
        %add3A_1012 = arith.addf %add3A_1003, %get3A_1011 : vector<16xf32>
        %mul3A_1013 = arith.constant 20 : i32
        %mul3A_1014 = arith.muli %scan3A_28, %mul3A_1013 : i32
        %add3A_1015 = arith.constant 7 : i32
        %add3A_1016 = arith.addi %mul3A_1014, %add3A_1015 : i32
        %get3A_1017 = arith.index_cast %add3A_1016 : i32 to index
        %get3A_1018 = arith.constant 80 : index
        %get3A_1019 = tpu.vector_load %arg6[%get3A_1017, %get3A_1018] {strides = array<i32>} : memref<320x128xf32, #tpu.memory_space<vmem>>, vector<1x16xf32>,
        %get3A_1020 = vector.shape_cast %get3A_1019 : vector<1x16xf32> to vector<16xf32>
        %add3A_1021 = arith.addf %add3A_1012, %get3A_1020 : vector<16xf32>
        %mul3A_1022 = arith.constant 20 : i32
        %mul3A_1023 = arith.muli %scan3A_28, %mul3A_1022 : i32
        %add3A_1024 = arith.constant 8 : i32
        %add3A_1025 = arith.addi %mul3A_1023, %add3A_1024 : i32
        %get3A_1026 = arith.index_cast %add3A_1025 : i32 to index
        %get3A_1027 = arith.constant 80 : index
        %get3A_1028 = tpu.vector_load %arg6[%get3A_1026, %get3A_1027] {strides = array<i32>} : memref<320x128xf32, #tpu.memory_space<vmem>>, vector<1x16xf32>,
        %get3A_1029 = vector.shape_cast %get3A_1028 : vector<1x16xf32> to vector<16xf32>
        %add3A_1030 = arith.addf %add3A_1021, %get3A_1029 : vector<16xf32>
        %mul3A_1031 = arith.constant 20 : i32
        %mul3A_1032 = arith.muli %scan3A_28, %mul3A_1031 : i32
        %add3A_1033 = arith.constant 9 : i32
        %add3A_1034 = arith.addi %mul3A_1032, %add3A_1033 : i32
        %get3A_1035 = arith.index_cast %add3A_1034 : i32 to index
        %get3A_1036 = arith.constant 80 : index
        %get3A_1037 = tpu.vector_load %arg6[%get3A_1035, %get3A_1036] {strides = array<i32>} : memref<320x128xf32, #tpu.memory_space<vmem>>, vector<1x16xf32>,
        %get3A_1038 = vector.shape_cast %get3A_1037 : vector<1x16xf32> to vector<16xf32>
        %add3A_1039 = arith.addf %add3A_1030, %get3A_1038 : vector<16xf32>
        %mul3A_1040 = arith.constant 20 : i32
        %mul3A_1041 = arith.muli %scan3A_28, %mul3A_1040 : i32
        %add3A_1042 = arith.constant 10 : i32
        %add3A_1043 = arith.addi %mul3A_1041, %add3A_1042 : i32
        %get3A_1044 = arith.index_cast %add3A_1043 : i32 to index
        %get3A_1045 = arith.constant 80 : index
        %get3A_1046 = tpu.vector_load %arg6[%get3A_1044, %get3A_1045] {strides = array<i32>} : memref<320x128xf32, #tpu.memory_space<vmem>>, vector<1x16xf32>,
        %get3A_1047 = vector.shape_cast %get3A_1046 : vector<1x16xf32> to vector<16xf32>
        %add3A_1048 = arith.addf %add3A_1039, %get3A_1047 : vector<16xf32>
        %mul3A_1049 = arith.constant 20 : i32
        %mul3A_1050 = arith.muli %scan3A_28, %mul3A_1049 : i32
        %add3A_1051 = arith.constant 11 : i32
        %add3A_1052 = arith.addi %mul3A_1050, %add3A_1051 : i32
        %get3A_1053 = arith.index_cast %add3A_1052 : i32 to index
        %get3A_1054 = arith.constant 80 : index
        %get3A_1055 = tpu.vector_load %arg6[%get3A_1053, %get3A_1054] {strides = array<i32>} : memref<320x128xf32, #tpu.memory_space<vmem>>, vector<1x16xf32>,
        %get3A_1056 = vector.shape_cast %get3A_1055 : vector<1x16xf32> to vector<16xf32>
        %add3A_1057 = arith.addf %add3A_1048, %get3A_1056 : vector<16xf32>
        %mul3A_1058 = arith.constant 20 : i32
        %mul3A_1059 = arith.muli %scan3A_28, %mul3A_1058 : i32
        %add3A_1060 = arith.constant 12 : i32
        %add3A_1061 = arith.addi %mul3A_1059, %add3A_1060 : i32
        %get3A_1062 = arith.index_cast %add3A_1061 : i32 to index
        %get3A_1063 = arith.constant 80 : index
        %get3A_1064 = tpu.vector_load %arg6[%get3A_1062, %get3A_1063] {strides = array<i32>} : memref<320x128xf32, #tpu.memory_space<vmem>>, vector<1x16xf32>,
        %get3A_1065 = vector.shape_cast %get3A_1064 : vector<1x16xf32> to vector<16xf32>
        %add3A_1066 = arith.addf %add3A_1057, %get3A_1065 : vector<16xf32>
        %mul3A_1067 = arith.constant 20 : i32
        %mul3A_1068 = arith.muli %scan3A_28, %mul3A_1067 : i32
        %add3A_1069 = arith.constant 13 : i32
        %add3A_1070 = arith.addi %mul3A_1068, %add3A_1069 : i32
        %get3A_1071 = arith.index_cast %add3A_1070 : i32 to index
        %get3A_1072 = arith.constant 80 : index
        %get3A_1073 = tpu.vector_load %arg6[%get3A_1071, %get3A_1072] {strides = array<i32>} : memref<320x128xf32, #tpu.memory_space<vmem>>, vector<1x16xf32>,
        %get3A_1074 = vector.shape_cast %get3A_1073 : vector<1x16xf32> to vector<16xf32>
        %add3A_1075 = arith.addf %add3A_1066, %get3A_1074 : vector<16xf32>
        %mul3A_1076 = arith.constant 20 : i32
        %mul3A_1077 = arith.muli %scan3A_28, %mul3A_1076 : i32
        %add3A_1078 = arith.constant 14 : i32
        %add3A_1079 = arith.addi %mul3A_1077, %add3A_1078 : i32
        %get3A_1080 = arith.index_cast %add3A_1079 : i32 to index
        %get3A_1081 = arith.constant 80 : index
        %get3A_1082 = tpu.vector_load %arg6[%get3A_1080, %get3A_1081] {strides = array<i32>} : memref<320x128xf32, #tpu.memory_space<vmem>>, vector<1x16xf32>,
        %get3A_1083 = vector.shape_cast %get3A_1082 : vector<1x16xf32> to vector<16xf32>
        %add3A_1084 = arith.addf %add3A_1075, %get3A_1083 : vector<16xf32>
        %mul3A_1085 = arith.constant 20 : i32
        %mul3A_1086 = arith.muli %scan3A_28, %mul3A_1085 : i32
        %add3A_1087 = arith.constant 15 : i32
        %add3A_1088 = arith.addi %mul3A_1086, %add3A_1087 : i32
        %get3A_1089 = arith.index_cast %add3A_1088 : i32 to index
        %get3A_1090 = arith.constant 80 : index
        %get3A_1091 = tpu.vector_load %arg6[%get3A_1089, %get3A_1090] {strides = array<i32>} : memref<320x128xf32, #tpu.memory_space<vmem>>, vector<1x16xf32>,
        %get3A_1092 = vector.shape_cast %get3A_1091 : vector<1x16xf32> to vector<16xf32>
        %add3A_1093 = arith.addf %add3A_1084, %get3A_1092 : vector<16xf32>
        %mul3A_1094 = arith.constant 20 : i32
        %mul3A_1095 = arith.muli %scan3A_28, %mul3A_1094 : i32
        %add3A_1096 = arith.constant 16 : i32
        %add3A_1097 = arith.addi %mul3A_1095, %add3A_1096 : i32
        %get3A_1098 = arith.index_cast %add3A_1097 : i32 to index
        %get3A_1099 = arith.constant 80 : index
        %get3A_1100 = tpu.vector_load %arg6[%get3A_1098, %get3A_1099] {strides = array<i32>} : memref<320x128xf32, #tpu.memory_space<vmem>>, vector<1x16xf32>,
        %get3A_1101 = vector.shape_cast %get3A_1100 : vector<1x16xf32> to vector<16xf32>
        %add3A_1102 = arith.addf %add3A_1093, %get3A_1101 : vector<16xf32>
        %mul3A_1103 = arith.constant 20 : i32
        %mul3A_1104 = arith.muli %scan3A_28, %mul3A_1103 : i32
        %add3A_1105 = arith.constant 17 : i32
        %add3A_1106 = arith.addi %mul3A_1104, %add3A_1105 : i32
        %get3A_1107 = arith.index_cast %add3A_1106 : i32 to index
        %get3A_1108 = arith.constant 80 : index
        %get3A_1109 = tpu.vector_load %arg6[%get3A_1107, %get3A_1108] {strides = array<i32>} : memref<320x128xf32, #tpu.memory_space<vmem>>, vector<1x16xf32>,
        %get3A_1110 = vector.shape_cast %get3A_1109 : vector<1x16xf32> to vector<16xf32>
        %add3A_1111 = arith.addf %add3A_1102, %get3A_1110 : vector<16xf32>
        %mul3A_1112 = arith.constant 20 : i32
        %mul3A_1113 = arith.muli %scan3A_28, %mul3A_1112 : i32
        %add3A_1114 = arith.constant 18 : i32
        %add3A_1115 = arith.addi %mul3A_1113, %add3A_1114 : i32
        %get3A_1116 = arith.index_cast %add3A_1115 : i32 to index
        %get3A_1117 = arith.constant 80 : index
        %get3A_1118 = tpu.vector_load %arg6[%get3A_1116, %get3A_1117] {strides = array<i32>} : memref<320x128xf32, #tpu.memory_space<vmem>>, vector<1x16xf32>,
        %get3A_1119 = vector.shape_cast %get3A_1118 : vector<1x16xf32> to vector<16xf32>
        %add3A_1120 = arith.addf %add3A_1111, %get3A_1119 : vector<16xf32>
        %mul3A_1121 = arith.constant 20 : i32
        %mul3A_1122 = arith.muli %scan3A_28, %mul3A_1121 : i32
        %add3A_1123 = arith.constant 19 : i32
        %add3A_1124 = arith.addi %mul3A_1122, %add3A_1123 : i32
        %get3A_1125 = arith.index_cast %add3A_1124 : i32 to index
        %get3A_1126 = arith.constant 80 : index
        %get3A_1127 = tpu.vector_load %arg6[%get3A_1125, %get3A_1126] {strides = array<i32>} : memref<320x128xf32, #tpu.memory_space<vmem>>, vector<1x16xf32>,
        %get3A_1128 = vector.shape_cast %get3A_1127 : vector<1x16xf32> to vector<16xf32>
        %add3A_1129 = arith.addf %add3A_1120, %get3A_1128 : vector<16xf32>
        %mul3A_1130 = arith.constant 5.000000e-02 : f32
        %mul3A_1131 = vector.broadcast %mul3A_1130 : f32 to vector<16xf32>
        %mul3A_1132 = arith.mulf %add3A_1129, %mul3A_1131 : vector<16xf32>
        %swap3A_1133 = arith.index_cast %scan3A_28 : i32 to index
        %swap3A_1134 = arith.constant 80 : index
        %swap3A_1135 = tpu.vector_load %arg7[%swap3A_1133, %swap3A_1134] {strides = array<i32>} : memref<16x128xf32, #tpu.memory_space<vmem>>, vector<1x16xf32>,
        %swap3A_1136 = vector.shape_cast %swap3A_1135 : vector<1x16xf32> to vector<16xf32>
        %swap3A_1137 = vector.shape_cast %mul3A_1132 : vector<16xf32> to vector<1x16xf32>
        tpu.vector_store %arg7[%swap3A_1133, %swap3A_1134], %swap3A_1137 {strides = array<i32>} : memref<16x128xf32, #tpu.memory_space<vmem>>, vector<1x16xf32>,
        %mul3A_1138 = arith.constant 20 : i32
        %mul3A_1139 = arith.muli %scan3A_28, %mul3A_1138 : i32
        %get3A_1140 = arith.index_cast %mul3A_1139 : i32 to index
        %get3A_1141 = arith.constant 96 : index
        %get3A_1142 = tpu.vector_load %arg6[%get3A_1140, %get3A_1141] {strides = array<i32>} : memref<320x128xf32, #tpu.memory_space<vmem>>, vector<1x16xf32>,
        %get3A_1143 = vector.shape_cast %get3A_1142 : vector<1x16xf32> to vector<16xf32>
        %mul3A_1144 = arith.constant 20 : i32
        %mul3A_1145 = arith.muli %scan3A_28, %mul3A_1144 : i32
        %add3A_1146 = arith.constant 1 : i32
        %add3A_1147 = arith.addi %mul3A_1145, %add3A_1146 : i32
        %get3A_1148 = arith.index_cast %add3A_1147 : i32 to index
        %get3A_1149 = arith.constant 96 : index
        %get3A_1150 = tpu.vector_load %arg6[%get3A_1148, %get3A_1149] {strides = array<i32>} : memref<320x128xf32, #tpu.memory_space<vmem>>, vector<1x16xf32>,
        %get3A_1151 = vector.shape_cast %get3A_1150 : vector<1x16xf32> to vector<16xf32>
        %add3A_1152 = arith.addf %get3A_1143, %get3A_1151 : vector<16xf32>
        %mul3A_1153 = arith.constant 20 : i32
        %mul3A_1154 = arith.muli %scan3A_28, %mul3A_1153 : i32
        %add3A_1155 = arith.constant 2 : i32
        %add3A_1156 = arith.addi %mul3A_1154, %add3A_1155 : i32
        %get3A_1157 = arith.index_cast %add3A_1156 : i32 to index
        %get3A_1158 = arith.constant 96 : index
        %get3A_1159 = tpu.vector_load %arg6[%get3A_1157, %get3A_1158] {strides = array<i32>} : memref<320x128xf32, #tpu.memory_space<vmem>>, vector<1x16xf32>,
        %get3A_1160 = vector.shape_cast %get3A_1159 : vector<1x16xf32> to vector<16xf32>
        %add3A_1161 = arith.addf %add3A_1152, %get3A_1160 : vector<16xf32>
        %mul3A_1162 = arith.constant 20 : i32
        %mul3A_1163 = arith.muli %scan3A_28, %mul3A_1162 : i32
        %add3A_1164 = arith.constant 3 : i32
        %add3A_1165 = arith.addi %mul3A_1163, %add3A_1164 : i32
        %get3A_1166 = arith.index_cast %add3A_1165 : i32 to index
        %get3A_1167 = arith.constant 96 : index
        %get3A_1168 = tpu.vector_load %arg6[%get3A_1166, %get3A_1167] {strides = array<i32>} : memref<320x128xf32, #tpu.memory_space<vmem>>, vector<1x16xf32>,
        %get3A_1169 = vector.shape_cast %get3A_1168 : vector<1x16xf32> to vector<16xf32>
        %add3A_1170 = arith.addf %add3A_1161, %get3A_1169 : vector<16xf32>
        %mul3A_1171 = arith.constant 20 : i32
        %mul3A_1172 = arith.muli %scan3A_28, %mul3A_1171 : i32
        %add3A_1173 = arith.constant 4 : i32
        %add3A_1174 = arith.addi %mul3A_1172, %add3A_1173 : i32
        %get3A_1175 = arith.index_cast %add3A_1174 : i32 to index
        %get3A_1176 = arith.constant 96 : index
        %get3A_1177 = tpu.vector_load %arg6[%get3A_1175, %get3A_1176] {strides = array<i32>} : memref<320x128xf32, #tpu.memory_space<vmem>>, vector<1x16xf32>,
        %get3A_1178 = vector.shape_cast %get3A_1177 : vector<1x16xf32> to vector<16xf32>
        %add3A_1179 = arith.addf %add3A_1170, %get3A_1178 : vector<16xf32>
        %mul3A_1180 = arith.constant 20 : i32
        %mul3A_1181 = arith.muli %scan3A_28, %mul3A_1180 : i32
        %add3A_1182 = arith.constant 5 : i32
        %add3A_1183 = arith.addi %mul3A_1181, %add3A_1182 : i32
        %get3A_1184 = arith.index_cast %add3A_1183 : i32 to index
        %get3A_1185 = arith.constant 96 : index
        %get3A_1186 = tpu.vector_load %arg6[%get3A_1184, %get3A_1185] {strides = array<i32>} : memref<320x128xf32, #tpu.memory_space<vmem>>, vector<1x16xf32>,
        %get3A_1187 = vector.shape_cast %get3A_1186 : vector<1x16xf32> to vector<16xf32>
        %add3A_1188 = arith.addf %add3A_1179, %get3A_1187 : vector<16xf32>
        %mul3A_1189 = arith.constant 20 : i32
        %mul3A_1190 = arith.muli %scan3A_28, %mul3A_1189 : i32
        %add3A_1191 = arith.constant 6 : i32
        %add3A_1192 = arith.addi %mul3A_1190, %add3A_1191 : i32
        %get3A_1193 = arith.index_cast %add3A_1192 : i32 to index
        %get3A_1194 = arith.constant 96 : index
        %get3A_1195 = tpu.vector_load %arg6[%get3A_1193, %get3A_1194] {strides = array<i32>} : memref<320x128xf32, #tpu.memory_space<vmem>>, vector<1x16xf32>,
        %get3A_1196 = vector.shape_cast %get3A_1195 : vector<1x16xf32> to vector<16xf32>
        %add3A_1197 = arith.addf %add3A_1188, %get3A_1196 : vector<16xf32>
        %mul3A_1198 = arith.constant 20 : i32
        %mul3A_1199 = arith.muli %scan3A_28, %mul3A_1198 : i32
        %add3A_1200 = arith.constant 7 : i32
        %add3A_1201 = arith.addi %mul3A_1199, %add3A_1200 : i32
        %get3A_1202 = arith.index_cast %add3A_1201 : i32 to index
        %get3A_1203 = arith.constant 96 : index
        %get3A_1204 = tpu.vector_load %arg6[%get3A_1202, %get3A_1203] {strides = array<i32>} : memref<320x128xf32, #tpu.memory_space<vmem>>, vector<1x16xf32>,
        %get3A_1205 = vector.shape_cast %get3A_1204 : vector<1x16xf32> to vector<16xf32>
        %add3A_1206 = arith.addf %add3A_1197, %get3A_1205 : vector<16xf32>
        %mul3A_1207 = arith.constant 20 : i32
        %mul3A_1208 = arith.muli %scan3A_28, %mul3A_1207 : i32
        %add3A_1209 = arith.constant 8 : i32
        %add3A_1210 = arith.addi %mul3A_1208, %add3A_1209 : i32
        %get3A_1211 = arith.index_cast %add3A_1210 : i32 to index
        %get3A_1212 = arith.constant 96 : index
        %get3A_1213 = tpu.vector_load %arg6[%get3A_1211, %get3A_1212] {strides = array<i32>} : memref<320x128xf32, #tpu.memory_space<vmem>>, vector<1x16xf32>,
        %get3A_1214 = vector.shape_cast %get3A_1213 : vector<1x16xf32> to vector<16xf32>
        %add3A_1215 = arith.addf %add3A_1206, %get3A_1214 : vector<16xf32>
        %mul3A_1216 = arith.constant 20 : i32
        %mul3A_1217 = arith.muli %scan3A_28, %mul3A_1216 : i32
        %add3A_1218 = arith.constant 9 : i32
        %add3A_1219 = arith.addi %mul3A_1217, %add3A_1218 : i32
        %get3A_1220 = arith.index_cast %add3A_1219 : i32 to index
        %get3A_1221 = arith.constant 96 : index
        %get3A_1222 = tpu.vector_load %arg6[%get3A_1220, %get3A_1221] {strides = array<i32>} : memref<320x128xf32, #tpu.memory_space<vmem>>, vector<1x16xf32>,
        %get3A_1223 = vector.shape_cast %get3A_1222 : vector<1x16xf32> to vector<16xf32>
        %add3A_1224 = arith.addf %add3A_1215, %get3A_1223 : vector<16xf32>
        %mul3A_1225 = arith.constant 20 : i32
        %mul3A_1226 = arith.muli %scan3A_28, %mul3A_1225 : i32
        %add3A_1227 = arith.constant 10 : i32
        %add3A_1228 = arith.addi %mul3A_1226, %add3A_1227 : i32
        %get3A_1229 = arith.index_cast %add3A_1228 : i32 to index
        %get3A_1230 = arith.constant 96 : index
        %get3A_1231 = tpu.vector_load %arg6[%get3A_1229, %get3A_1230] {strides = array<i32>} : memref<320x128xf32, #tpu.memory_space<vmem>>, vector<1x16xf32>,
        %get3A_1232 = vector.shape_cast %get3A_1231 : vector<1x16xf32> to vector<16xf32>
        %add3A_1233 = arith.addf %add3A_1224, %get3A_1232 : vector<16xf32>
        %mul3A_1234 = arith.constant 20 : i32
        %mul3A_1235 = arith.muli %scan3A_28, %mul3A_1234 : i32
        %add3A_1236 = arith.constant 11 : i32
        %add3A_1237 = arith.addi %mul3A_1235, %add3A_1236 : i32
        %get3A_1238 = arith.index_cast %add3A_1237 : i32 to index
        %get3A_1239 = arith.constant 96 : index
        %get3A_1240 = tpu.vector_load %arg6[%get3A_1238, %get3A_1239] {strides = array<i32>} : memref<320x128xf32, #tpu.memory_space<vmem>>, vector<1x16xf32>,
        %get3A_1241 = vector.shape_cast %get3A_1240 : vector<1x16xf32> to vector<16xf32>
        %add3A_1242 = arith.addf %add3A_1233, %get3A_1241 : vector<16xf32>
        %mul3A_1243 = arith.constant 20 : i32
        %mul3A_1244 = arith.muli %scan3A_28, %mul3A_1243 : i32
        %add3A_1245 = arith.constant 12 : i32
        %add3A_1246 = arith.addi %mul3A_1244, %add3A_1245 : i32
        %get3A_1247 = arith.index_cast %add3A_1246 : i32 to index
        %get3A_1248 = arith.constant 96 : index
        %get3A_1249 = tpu.vector_load %arg6[%get3A_1247, %get3A_1248] {strides = array<i32>} : memref<320x128xf32, #tpu.memory_space<vmem>>, vector<1x16xf32>,
        %get3A_1250 = vector.shape_cast %get3A_1249 : vector<1x16xf32> to vector<16xf32>
        %add3A_1251 = arith.addf %add3A_1242, %get3A_1250 : vector<16xf32>
        %mul3A_1252 = arith.constant 20 : i32
        %mul3A_1253 = arith.muli %scan3A_28, %mul3A_1252 : i32
        %add3A_1254 = arith.constant 13 : i32
        %add3A_1255 = arith.addi %mul3A_1253, %add3A_1254 : i32
        %get3A_1256 = arith.index_cast %add3A_1255 : i32 to index
        %get3A_1257 = arith.constant 96 : index
        %get3A_1258 = tpu.vector_load %arg6[%get3A_1256, %get3A_1257] {strides = array<i32>} : memref<320x128xf32, #tpu.memory_space<vmem>>, vector<1x16xf32>,
        %get3A_1259 = vector.shape_cast %get3A_1258 : vector<1x16xf32> to vector<16xf32>
        %add3A_1260 = arith.addf %add3A_1251, %get3A_1259 : vector<16xf32>
        %mul3A_1261 = arith.constant 20 : i32
        %mul3A_1262 = arith.muli %scan3A_28, %mul3A_1261 : i32
        %add3A_1263 = arith.constant 14 : i32
        %add3A_1264 = arith.addi %mul3A_1262, %add3A_1263 : i32
        %get3A_1265 = arith.index_cast %add3A_1264 : i32 to index
        %get3A_1266 = arith.constant 96 : index
        %get3A_1267 = tpu.vector_load %arg6[%get3A_1265, %get3A_1266] {strides = array<i32>} : memref<320x128xf32, #tpu.memory_space<vmem>>, vector<1x16xf32>,
        %get3A_1268 = vector.shape_cast %get3A_1267 : vector<1x16xf32> to vector<16xf32>
        %add3A_1269 = arith.addf %add3A_1260, %get3A_1268 : vector<16xf32>
        %mul3A_1270 = arith.constant 20 : i32
        %mul3A_1271 = arith.muli %scan3A_28, %mul3A_1270 : i32
        %add3A_1272 = arith.constant 15 : i32
        %add3A_1273 = arith.addi %mul3A_1271, %add3A_1272 : i32
        %get3A_1274 = arith.index_cast %add3A_1273 : i32 to index
        %get3A_1275 = arith.constant 96 : index
        %get3A_1276 = tpu.vector_load %arg6[%get3A_1274, %get3A_1275] {strides = array<i32>} : memref<320x128xf32, #tpu.memory_space<vmem>>, vector<1x16xf32>,
        %get3A_1277 = vector.shape_cast %get3A_1276 : vector<1x16xf32> to vector<16xf32>
        %add3A_1278 = arith.addf %add3A_1269, %get3A_1277 : vector<16xf32>
        %mul3A_1279 = arith.constant 20 : i32
        %mul3A_1280 = arith.muli %scan3A_28, %mul3A_1279 : i32
        %add3A_1281 = arith.constant 16 : i32
        %add3A_1282 = arith.addi %mul3A_1280, %add3A_1281 : i32
        %get3A_1283 = arith.index_cast %add3A_1282 : i32 to index
        %get3A_1284 = arith.constant 96 : index
        %get3A_1285 = tpu.vector_load %arg6[%get3A_1283, %get3A_1284] {strides = array<i32>} : memref<320x128xf32, #tpu.memory_space<vmem>>, vector<1x16xf32>,
        %get3A_1286 = vector.shape_cast %get3A_1285 : vector<1x16xf32> to vector<16xf32>
        %add3A_1287 = arith.addf %add3A_1278, %get3A_1286 : vector<16xf32>
        %mul3A_1288 = arith.constant 20 : i32
        %mul3A_1289 = arith.muli %scan3A_28, %mul3A_1288 : i32
        %add3A_1290 = arith.constant 17 : i32
        %add3A_1291 = arith.addi %mul3A_1289, %add3A_1290 : i32
        %get3A_1292 = arith.index_cast %add3A_1291 : i32 to index
        %get3A_1293 = arith.constant 96 : index
        %get3A_1294 = tpu.vector_load %arg6[%get3A_1292, %get3A_1293] {strides = array<i32>} : memref<320x128xf32, #tpu.memory_space<vmem>>, vector<1x16xf32>,
        %get3A_1295 = vector.shape_cast %get3A_1294 : vector<1x16xf32> to vector<16xf32>
        %add3A_1296 = arith.addf %add3A_1287, %get3A_1295 : vector<16xf32>
        %mul3A_1297 = arith.constant 20 : i32
        %mul3A_1298 = arith.muli %scan3A_28, %mul3A_1297 : i32
        %add3A_1299 = arith.constant 18 : i32
        %add3A_1300 = arith.addi %mul3A_1298, %add3A_1299 : i32
        %get3A_1301 = arith.index_cast %add3A_1300 : i32 to index
        %get3A_1302 = arith.constant 96 : index
        %get3A_1303 = tpu.vector_load %arg6[%get3A_1301, %get3A_1302] {strides = array<i32>} : memref<320x128xf32, #tpu.memory_space<vmem>>, vector<1x16xf32>,
        %get3A_1304 = vector.shape_cast %get3A_1303 : vector<1x16xf32> to vector<16xf32>
        %add3A_1305 = arith.addf %add3A_1296, %get3A_1304 : vector<16xf32>
        %mul3A_1306 = arith.constant 20 : i32
        %mul3A_1307 = arith.muli %scan3A_28, %mul3A_1306 : i32
        %add3A_1308 = arith.constant 19 : i32
        %add3A_1309 = arith.addi %mul3A_1307, %add3A_1308 : i32
        %get3A_1310 = arith.index_cast %add3A_1309 : i32 to index
        %get3A_1311 = arith.constant 96 : index
        %get3A_1312 = tpu.vector_load %arg6[%get3A_1310, %get3A_1311] {strides = array<i32>} : memref<320x128xf32, #tpu.memory_space<vmem>>, vector<1x16xf32>,
        %get3A_1313 = vector.shape_cast %get3A_1312 : vector<1x16xf32> to vector<16xf32>
        %add3A_1314 = arith.addf %add3A_1305, %get3A_1313 : vector<16xf32>
        %mul3A_1315 = arith.constant 5.000000e-02 : f32
        %mul3A_1316 = vector.broadcast %mul3A_1315 : f32 to vector<16xf32>
        %mul3A_1317 = arith.mulf %add3A_1314, %mul3A_1316 : vector<16xf32>
        %swap3A_1318 = arith.index_cast %scan3A_28 : i32 to index
        %swap3A_1319 = arith.constant 96 : index
        %swap3A_1320 = tpu.vector_load %arg7[%swap3A_1318, %swap3A_1319] {strides = array<i32>} : memref<16x128xf32, #tpu.memory_space<vmem>>, vector<1x16xf32>,
        %swap3A_1321 = vector.shape_cast %swap3A_1320 : vector<1x16xf32> to vector<16xf32>
        %swap3A_1322 = vector.shape_cast %mul3A_1317 : vector<16xf32> to vector<1x16xf32>
        tpu.vector_store %arg7[%swap3A_1318, %swap3A_1319], %swap3A_1322 {strides = array<i32>} : memref<16x128xf32, #tpu.memory_space<vmem>>, vector<1x16xf32>,
        %mul3A_1323 = arith.constant 20 : i32
        %mul3A_1324 = arith.muli %scan3A_28, %mul3A_1323 : i32
        %get3A_1325 = arith.index_cast %mul3A_1324 : i32 to index
        %get3A_1326 = arith.constant 112 : index
        %get3A_1327 = tpu.vector_load %arg6[%get3A_1325, %get3A_1326] {strides = array<i32>} : memref<320x128xf32, #tpu.memory_space<vmem>>, vector<1x16xf32>,
        %get3A_1328 = vector.shape_cast %get3A_1327 : vector<1x16xf32> to vector<16xf32>
        %mul3A_1329 = arith.constant 20 : i32
        %mul3A_1330 = arith.muli %scan3A_28, %mul3A_1329 : i32
        %add3A_1331 = arith.constant 1 : i32
        %add3A_1332 = arith.addi %mul3A_1330, %add3A_1331 : i32
        %get3A_1333 = arith.index_cast %add3A_1332 : i32 to index
        %get3A_1334 = arith.constant 112 : index
        %get3A_1335 = tpu.vector_load %arg6[%get3A_1333, %get3A_1334] {strides = array<i32>} : memref<320x128xf32, #tpu.memory_space<vmem>>, vector<1x16xf32>,
        %get3A_1336 = vector.shape_cast %get3A_1335 : vector<1x16xf32> to vector<16xf32>
        %add3A_1337 = arith.addf %get3A_1328, %get3A_1336 : vector<16xf32>
        %mul3A_1338 = arith.constant 20 : i32
        %mul3A_1339 = arith.muli %scan3A_28, %mul3A_1338 : i32
        %add3A_1340 = arith.constant 2 : i32
        %add3A_1341 = arith.addi %mul3A_1339, %add3A_1340 : i32
        %get3A_1342 = arith.index_cast %add3A_1341 : i32 to index
        %get3A_1343 = arith.constant 112 : index
        %get3A_1344 = tpu.vector_load %arg6[%get3A_1342, %get3A_1343] {strides = array<i32>} : memref<320x128xf32, #tpu.memory_space<vmem>>, vector<1x16xf32>,
        %get3A_1345 = vector.shape_cast %get3A_1344 : vector<1x16xf32> to vector<16xf32>
        %add3A_1346 = arith.addf %add3A_1337, %get3A_1345 : vector<16xf32>
        %mul3A_1347 = arith.constant 20 : i32
        %mul3A_1348 = arith.muli %scan3A_28, %mul3A_1347 : i32
        %add3A_1349 = arith.constant 3 : i32
        %add3A_1350 = arith.addi %mul3A_1348, %add3A_1349 : i32
        %get3A_1351 = arith.index_cast %add3A_1350 : i32 to index
        %get3A_1352 = arith.constant 112 : index
        %get3A_1353 = tpu.vector_load %arg6[%get3A_1351, %get3A_1352] {strides = array<i32>} : memref<320x128xf32, #tpu.memory_space<vmem>>, vector<1x16xf32>,
        %get3A_1354 = vector.shape_cast %get3A_1353 : vector<1x16xf32> to vector<16xf32>
        %add3A_1355 = arith.addf %add3A_1346, %get3A_1354 : vector<16xf32>
        %mul3A_1356 = arith.constant 20 : i32
        %mul3A_1357 = arith.muli %scan3A_28, %mul3A_1356 : i32
        %add3A_1358 = arith.constant 4 : i32
        %add3A_1359 = arith.addi %mul3A_1357, %add3A_1358 : i32
        %get3A_1360 = arith.index_cast %add3A_1359 : i32 to index
        %get3A_1361 = arith.constant 112 : index
        %get3A_1362 = tpu.vector_load %arg6[%get3A_1360, %get3A_1361] {strides = array<i32>} : memref<320x128xf32, #tpu.memory_space<vmem>>, vector<1x16xf32>,
        %get3A_1363 = vector.shape_cast %get3A_1362 : vector<1x16xf32> to vector<16xf32>
        %add3A_1364 = arith.addf %add3A_1355, %get3A_1363 : vector<16xf32>
        %mul3A_1365 = arith.constant 20 : i32
        %mul3A_1366 = arith.muli %scan3A_28, %mul3A_1365 : i32
        %add3A_1367 = arith.constant 5 : i32
        %add3A_1368 = arith.addi %mul3A_1366, %add3A_1367 : i32
        %get3A_1369 = arith.index_cast %add3A_1368 : i32 to index
        %get3A_1370 = arith.constant 112 : index
        %get3A_1371 = tpu.vector_load %arg6[%get3A_1369, %get3A_1370] {strides = array<i32>} : memref<320x128xf32, #tpu.memory_space<vmem>>, vector<1x16xf32>,
        %get3A_1372 = vector.shape_cast %get3A_1371 : vector<1x16xf32> to vector<16xf32>
        %add3A_1373 = arith.addf %add3A_1364, %get3A_1372 : vector<16xf32>
        %mul3A_1374 = arith.constant 20 : i32
        %mul3A_1375 = arith.muli %scan3A_28, %mul3A_1374 : i32
        %add3A_1376 = arith.constant 6 : i32
        %add3A_1377 = arith.addi %mul3A_1375, %add3A_1376 : i32
        %get3A_1378 = arith.index_cast %add3A_1377 : i32 to index
        %get3A_1379 = arith.constant 112 : index
        %get3A_1380 = tpu.vector_load %arg6[%get3A_1378, %get3A_1379] {strides = array<i32>} : memref<320x128xf32, #tpu.memory_space<vmem>>, vector<1x16xf32>,
        %get3A_1381 = vector.shape_cast %get3A_1380 : vector<1x16xf32> to vector<16xf32>
        %add3A_1382 = arith.addf %add3A_1373, %get3A_1381 : vector<16xf32>
        %mul3A_1383 = arith.constant 20 : i32
        %mul3A_1384 = arith.muli %scan3A_28, %mul3A_1383 : i32
        %add3A_1385 = arith.constant 7 : i32
        %add3A_1386 = arith.addi %mul3A_1384, %add3A_1385 : i32
        %get3A_1387 = arith.index_cast %add3A_1386 : i32 to index
        %get3A_1388 = arith.constant 112 : index
        %get3A_1389 = tpu.vector_load %arg6[%get3A_1387, %get3A_1388] {strides = array<i32>} : memref<320x128xf32, #tpu.memory_space<vmem>>, vector<1x16xf32>,
        %get3A_1390 = vector.shape_cast %get3A_1389 : vector<1x16xf32> to vector<16xf32>
        %add3A_1391 = arith.addf %add3A_1382, %get3A_1390 : vector<16xf32>
        %mul3A_1392 = arith.constant 20 : i32
        %mul3A_1393 = arith.muli %scan3A_28, %mul3A_1392 : i32
        %add3A_1394 = arith.constant 8 : i32
        %add3A_1395 = arith.addi %mul3A_1393, %add3A_1394 : i32
        %get3A_1396 = arith.index_cast %add3A_1395 : i32 to index
        %get3A_1397 = arith.constant 112 : index
        %get3A_1398 = tpu.vector_load %arg6[%get3A_1396, %get3A_1397] {strides = array<i32>} : memref<320x128xf32, #tpu.memory_space<vmem>>, vector<1x16xf32>,
        %get3A_1399 = vector.shape_cast %get3A_1398 : vector<1x16xf32> to vector<16xf32>
        %add3A_1400 = arith.addf %add3A_1391, %get3A_1399 : vector<16xf32>
        %mul3A_1401 = arith.constant 20 : i32
        %mul3A_1402 = arith.muli %scan3A_28, %mul3A_1401 : i32
        %add3A_1403 = arith.constant 9 : i32
        %add3A_1404 = arith.addi %mul3A_1402, %add3A_1403 : i32
        %get3A_1405 = arith.index_cast %add3A_1404 : i32 to index
        %get3A_1406 = arith.constant 112 : index
        %get3A_1407 = tpu.vector_load %arg6[%get3A_1405, %get3A_1406] {strides = array<i32>} : memref<320x128xf32, #tpu.memory_space<vmem>>, vector<1x16xf32>,
        %get3A_1408 = vector.shape_cast %get3A_1407 : vector<1x16xf32> to vector<16xf32>
        %add3A_1409 = arith.addf %add3A_1400, %get3A_1408 : vector<16xf32>
        %mul3A_1410 = arith.constant 20 : i32
        %mul3A_1411 = arith.muli %scan3A_28, %mul3A_1410 : i32
        %add3A_1412 = arith.constant 10 : i32
        %add3A_1413 = arith.addi %mul3A_1411, %add3A_1412 : i32
        %get3A_1414 = arith.index_cast %add3A_1413 : i32 to index
        %get3A_1415 = arith.constant 112 : index
        %get3A_1416 = tpu.vector_load %arg6[%get3A_1414, %get3A_1415] {strides = array<i32>} : memref<320x128xf32, #tpu.memory_space<vmem>>, vector<1x16xf32>,
        %get3A_1417 = vector.shape_cast %get3A_1416 : vector<1x16xf32> to vector<16xf32>
        %add3A_1418 = arith.addf %add3A_1409, %get3A_1417 : vector<16xf32>
        %mul3A_1419 = arith.constant 20 : i32
        %mul3A_1420 = arith.muli %scan3A_28, %mul3A_1419 : i32
        %add3A_1421 = arith.constant 11 : i32
        %add3A_1422 = arith.addi %mul3A_1420, %add3A_1421 : i32
        %get3A_1423 = arith.index_cast %add3A_1422 : i32 to index
        %get3A_1424 = arith.constant 112 : index
        %get3A_1425 = tpu.vector_load %arg6[%get3A_1423, %get3A_1424] {strides = array<i32>} : memref<320x128xf32, #tpu.memory_space<vmem>>, vector<1x16xf32>,
        %get3A_1426 = vector.shape_cast %get3A_1425 : vector<1x16xf32> to vector<16xf32>
        %add3A_1427 = arith.addf %add3A_1418, %get3A_1426 : vector<16xf32>
        %mul3A_1428 = arith.constant 20 : i32
        %mul3A_1429 = arith.muli %scan3A_28, %mul3A_1428 : i32
        %add3A_1430 = arith.constant 12 : i32
        %add3A_1431 = arith.addi %mul3A_1429, %add3A_1430 : i32
        %get3A_1432 = arith.index_cast %add3A_1431 : i32 to index
        %get3A_1433 = arith.constant 112 : index
        %get3A_1434 = tpu.vector_load %arg6[%get3A_1432, %get3A_1433] {strides = array<i32>} : memref<320x128xf32, #tpu.memory_space<vmem>>, vector<1x16xf32>,
        %get3A_1435 = vector.shape_cast %get3A_1434 : vector<1x16xf32> to vector<16xf32>
        %add3A_1436 = arith.addf %add3A_1427, %get3A_1435 : vector<16xf32>
        %mul3A_1437 = arith.constant 20 : i32
        %mul3A_1438 = arith.muli %scan3A_28, %mul3A_1437 : i32
        %add3A_1439 = arith.constant 13 : i32
        %add3A_1440 = arith.addi %mul3A_1438, %add3A_1439 : i32
        %get3A_1441 = arith.index_cast %add3A_1440 : i32 to index
        %get3A_1442 = arith.constant 112 : index
        %get3A_1443 = tpu.vector_load %arg6[%get3A_1441, %get3A_1442] {strides = array<i32>} : memref<320x128xf32, #tpu.memory_space<vmem>>, vector<1x16xf32>,
        %get3A_1444 = vector.shape_cast %get3A_1443 : vector<1x16xf32> to vector<16xf32>
        %add3A_1445 = arith.addf %add3A_1436, %get3A_1444 : vector<16xf32>
        %mul3A_1446 = arith.constant 20 : i32
        %mul3A_1447 = arith.muli %scan3A_28, %mul3A_1446 : i32
        %add3A_1448 = arith.constant 14 : i32
        %add3A_1449 = arith.addi %mul3A_1447, %add3A_1448 : i32
        %get3A_1450 = arith.index_cast %add3A_1449 : i32 to index
        %get3A_1451 = arith.constant 112 : index
        %get3A_1452 = tpu.vector_load %arg6[%get3A_1450, %get3A_1451] {strides = array<i32>} : memref<320x128xf32, #tpu.memory_space<vmem>>, vector<1x16xf32>,
        %get3A_1453 = vector.shape_cast %get3A_1452 : vector<1x16xf32> to vector<16xf32>
        %add3A_1454 = arith.addf %add3A_1445, %get3A_1453 : vector<16xf32>
        %mul3A_1455 = arith.constant 20 : i32
        %mul3A_1456 = arith.muli %scan3A_28, %mul3A_1455 : i32
        %add3A_1457 = arith.constant 15 : i32
        %add3A_1458 = arith.addi %mul3A_1456, %add3A_1457 : i32
        %get3A_1459 = arith.index_cast %add3A_1458 : i32 to index
        %get3A_1460 = arith.constant 112 : index
        %get3A_1461 = tpu.vector_load %arg6[%get3A_1459, %get3A_1460] {strides = array<i32>} : memref<320x128xf32, #tpu.memory_space<vmem>>, vector<1x16xf32>,
        %get3A_1462 = vector.shape_cast %get3A_1461 : vector<1x16xf32> to vector<16xf32>
        %add3A_1463 = arith.addf %add3A_1454, %get3A_1462 : vector<16xf32>
        %mul3A_1464 = arith.constant 20 : i32
        %mul3A_1465 = arith.muli %scan3A_28, %mul3A_1464 : i32
        %add3A_1466 = arith.constant 16 : i32
        %add3A_1467 = arith.addi %mul3A_1465, %add3A_1466 : i32
        %get3A_1468 = arith.index_cast %add3A_1467 : i32 to index
        %get3A_1469 = arith.constant 112 : index
        %get3A_1470 = tpu.vector_load %arg6[%get3A_1468, %get3A_1469] {strides = array<i32>} : memref<320x128xf32, #tpu.memory_space<vmem>>, vector<1x16xf32>,
        %get3A_1471 = vector.shape_cast %get3A_1470 : vector<1x16xf32> to vector<16xf32>
        %add3A_1472 = arith.addf %add3A_1463, %get3A_1471 : vector<16xf32>
        %mul3A_1473 = arith.constant 20 : i32
        %mul3A_1474 = arith.muli %scan3A_28, %mul3A_1473 : i32
        %add3A_1475 = arith.constant 17 : i32
        %add3A_1476 = arith.addi %mul3A_1474, %add3A_1475 : i32
        %get3A_1477 = arith.index_cast %add3A_1476 : i32 to index
        %get3A_1478 = arith.constant 112 : index
        %get3A_1479 = tpu.vector_load %arg6[%get3A_1477, %get3A_1478] {strides = array<i32>} : memref<320x128xf32, #tpu.memory_space<vmem>>, vector<1x16xf32>,
        %get3A_1480 = vector.shape_cast %get3A_1479 : vector<1x16xf32> to vector<16xf32>
        %add3A_1481 = arith.addf %add3A_1472, %get3A_1480 : vector<16xf32>
        %mul3A_1482 = arith.constant 20 : i32
        %mul3A_1483 = arith.muli %scan3A_28, %mul3A_1482 : i32
        %add3A_1484 = arith.constant 18 : i32
        %add3A_1485 = arith.addi %mul3A_1483, %add3A_1484 : i32
        %get3A_1486 = arith.index_cast %add3A_1485 : i32 to index
        %get3A_1487 = arith.constant 112 : index
        %get3A_1488 = tpu.vector_load %arg6[%get3A_1486, %get3A_1487] {strides = array<i32>} : memref<320x128xf32, #tpu.memory_space<vmem>>, vector<1x16xf32>,
        %get3A_1489 = vector.shape_cast %get3A_1488 : vector<1x16xf32> to vector<16xf32>
        %add3A_1490 = arith.addf %add3A_1481, %get3A_1489 : vector<16xf32>
        %mul3A_1491 = arith.constant 20 : i32
        %mul3A_1492 = arith.muli %scan3A_28, %mul3A_1491 : i32
        %add3A_1493 = arith.constant 19 : i32
        %add3A_1494 = arith.addi %mul3A_1492, %add3A_1493 : i32
        %get3A_1495 = arith.index_cast %add3A_1494 : i32 to index
        %get3A_1496 = arith.constant 112 : index
        %get3A_1497 = tpu.vector_load %arg6[%get3A_1495, %get3A_1496] {strides = array<i32>} : memref<320x128xf32, #tpu.memory_space<vmem>>, vector<1x16xf32>,
        %get3A_1498 = vector.shape_cast %get3A_1497 : vector<1x16xf32> to vector<16xf32>
        %add3A_1499 = arith.addf %add3A_1490, %get3A_1498 : vector<16xf32>
        %mul3A_1500 = arith.constant 5.000000e-02 : f32
        %mul3A_1501 = vector.broadcast %mul3A_1500 : f32 to vector<16xf32>
        %mul3A_1502 = arith.mulf %add3A_1499, %mul3A_1501 : vector<16xf32>
        %swap3A_1503 = arith.index_cast %scan3A_28 : i32 to index
        %swap3A_1504 = arith.constant 112 : index
        %swap3A_1505 = tpu.vector_load %arg7[%swap3A_1503, %swap3A_1504] {strides = array<i32>} : memref<16x128xf32, #tpu.memory_space<vmem>>, vector<1x16xf32>,
        %swap3A_1506 = vector.shape_cast %swap3A_1505 : vector<1x16xf32> to vector<16xf32>
        %swap3A_1507 = vector.shape_cast %mul3A_1502 : vector<16xf32> to vector<1x16xf32>
        tpu.vector_store %arg7[%swap3A_1503, %swap3A_1504], %swap3A_1507 {strides = array<i32>} : memref<16x128xf32, #tpu.memory_space<vmem>>, vector<1x16xf32>,
        %scan3A_1508 = arith.constant 0 : i32
        scf.yield %scan3A_1508 : i32
      }
      %scan3A_26 = arith.constant 16 : i32
      "tpu.region"() ({
        %run_scoped3A = tpu.sem_alloc : memref<!tpu.dma_semaphore, #tpu.memory_space<semaphore_mem>>
        %dma_start3A_28 = arith.constant 0 : i32
        %dma_start3A_29 = tpu.memref_slice %arg4[%add3A_13, %dma_start3A_28] : memref<4096x128xf32, #tpu.memory_space<hbm>> -> memref<16x128xf32, #tpu.memory_space<hbm>>
        %dma_start3A_30 = arith.constant 0 : i32
        %dma_start3A_31 = tpu.memref_slice %arg4[%add3A_13, %dma_start3A_30] : memref<4096x128xf32, #tpu.memory_space<hbm>> -> memref<16x128xf32, #tpu.memory_space<hbm>>
        tpu.enqueue_dma source(%arg7 : memref<16x128xf32, #tpu.memory_space<vmem>>) target(%dma_start3A_31 : memref<16x128xf32, #tpu.memory_space<hbm>>) target_semaphore(%run_scoped3A : memref<!tpu.dma_semaphore, #tpu.memory_space<semaphore_mem>>)
        %dma_wait3A_32 = arith.constant 0 : i32
        %dma_wait3A_33 = tpu.memref_slice %arg4[%add3A_13, %dma_wait3A_32] : memref<4096x128xf32, #tpu.memory_space<hbm>> -> memref<16x128xf32, #tpu.memory_space<hbm>>
        %dma_wait3A_34 = arith.constant 0 : i32
        %dma_wait3A_35 = tpu.memref_slice %arg4[%add3A_13, %dma_wait3A_34] : memref<4096x128xf32, #tpu.memory_space<hbm>> -> memref<16x128xf32, #tpu.memory_space<hbm>>
        tpu.wait_dma2 semaphore(%run_scoped3A : memref<!tpu.dma_semaphore, #tpu.memory_space<semaphore_mem>>) src(%arg7 : memref<16x128xf32, #tpu.memory_space<vmem>>) dst(%dma_wait3A_35 : memref<16x128xf32, #tpu.memory_space<hbm>>)
        tpu.yield
      }) : () -> ()
      %scan3A_27 = arith.constant 0 : i32
      scf.yield %scan3A_27 : i32
    }
    %scan3A_8 = arith.constant 8 : i32
    return
  }
}

module attributes {stable_mosaic.version = 14 : i64} {
  func.func @_proj_body(%arg0: i32, %arg1: memref<4096x128xbf16, #tpu.memory_space<vmem>>, %arg2: memref<512x128xbf16, #tpu.memory_space<vmem>>, %arg3: memref<1x512xf32, #tpu.memory_space<vmem>>, %arg4: memref<4096x1xf32, #tpu.memory_space<vmem>>, %arg5: memref<4096x512xbf16, #tpu.memory_space<vmem>>) attributes {dimension_semantics = [#tpu.dimension_semantics<arbitrary>], iteration_bounds = array<i64: 196>, scalar_prefetch = 0 : i64, scratch_operands = 0 : i64, tpu.core_type = #tpu.core_type<tc>, window_params = [{pipeline_mode = #tpu.pipeline_mode<synchronous>, transform_indices = @transform_0, window_bounds = array<i64: 4096, 128>}, {transform_indices = @transform_1, window_bounds = array<i64: 512, 128>}, {transform_indices = @transform_2, window_bounds = array<i64: 1, 512>}, {pipeline_mode = #tpu.pipeline_mode<synchronous>, transform_indices = @transform_3, window_bounds = array<i64: 4096, 1>}, {transform_indices = @transform_4, window_bounds = array<i64: 4096, 512>}]} {
    %get3A = arith.constant 0 : index
    %get3A_0 = arith.constant 0 : index
    %get3A_1 = vector.load %arg1[%get3A, %get3A_0] : memref<4096x128xbf16, #tpu.memory_space<vmem>>, vector<4096x128xbf16>
    %get3A_2 = arith.constant 0 : index
    %get3A_3 = arith.constant 0 : index
    %get3A_4 = vector.load %arg2[%get3A_2, %get3A_3] : memref<512x128xbf16, #tpu.memory_space<vmem>>, vector<512x128xbf16>
    %dot_general3A = arith.constant dense<0.000000e+00> : vector<4096x512xf32>
    %dot_general3A_5 = tpu.matmul %get3A_1, %get3A_4, %dot_general3A {dimension_numbers = #tpu.dot_dimension_numbers<[1], [1], [0], [0], [0, 0, 1, 0], [], []>, transpose_lhs_hint = false} : vector<4096x128xbf16>, vector<512x128xbf16>, vector<4096x512xf32> -> vector<4096x512xf32>
    %get3A_6 = arith.constant 0 : index
    %get3A_7 = arith.constant 0 : index
    %get3A_8 = vector.load %arg3[%get3A_6, %get3A_7] : memref<1x512xf32, #tpu.memory_space<vmem>>, vector<1x512xf32>
    %add3A = vector.broadcast %get3A_8 : vector<1x512xf32> to vector<4096x512xf32>
    %add3A_9 = arith.addf %dot_general3A_5, %add3A : vector<4096x512xf32>
    %convert_element_type3A = arith.truncf %add3A_9 : vector<4096x512xf32> to vector<4096x512xbf16>
    %swap3A = arith.constant 0 : index
    %swap3A_10 = arith.constant 0 : index
    %swap3A_11 = vector.load %arg5[%swap3A, %swap3A_10] : memref<4096x512xbf16, #tpu.memory_space<vmem>>, vector<4096x512xbf16>
    tpu.vector_store %arg5[%swap3A, %swap3A_10], %convert_element_type3A {strides = array<i32>} : memref<4096x512xbf16, #tpu.memory_space<vmem>>, vector<4096x512xbf16>,
    %exp3A = math.exp %add3A_9 : vector<4096x512xf32>
    %reduce_sum3A = arith.constant dense<0.000000e+00> : vector<4096xf32>
    %reduce_sum3A_12 = vector.multi_reduction <add>, %exp3A, %reduce_sum3A [1] : vector<4096x512xf32> to vector<4096xf32>
    %broadcast_in_dim3A = vector.shape_cast %reduce_sum3A_12 : vector<4096xf32> to vector<4096x1xf32>
    %eq3A = arith.constant 0 : i32
    %eq3A_13 = arith.cmpi eq, %arg0, %eq3A : i32
    %convert_element_type3A_14 = arith.extui %eq3A_13 : i1 to i32
    %cond3A = arith.constant 0 : i32
    %cond3A_15 = arith.cmpi ne, %convert_element_type3A_14, %cond3A : i32
    scf.if %cond3A_15 {
      %swap3A_25 = arith.constant 0 : index
      %swap3A_26 = arith.constant 0 : index
      %swap3A_27 = vector.load %arg4[%swap3A_25, %swap3A_26] : memref<4096x1xf32, #tpu.memory_space<vmem>>, vector<4096x1xf32>
      tpu.vector_store %arg4[%swap3A_25, %swap3A_26], %broadcast_in_dim3A {strides = array<i32>} : memref<4096x1xf32, #tpu.memory_space<vmem>>, vector<4096x1xf32>,
    } else {
    }
    %gt3A = arith.constant 0 : i32
    %gt3A_16 = arith.cmpi sgt, %arg0, %gt3A : i32
    %convert_element_type3A_17 = arith.extui %gt3A_16 : i1 to i32
    %cond3A_18 = arith.constant 0 : i32
    %cond3A_19 = arith.cmpi ne, %convert_element_type3A_17, %cond3A_18 : i32
    scf.if %cond3A_19 {
      %get3A_25 = arith.constant 0 : index
      %get3A_26 = arith.constant 0 : index
      %get3A_27 = vector.load %arg4[%get3A_25, %get3A_26] : memref<4096x1xf32, #tpu.memory_space<vmem>>, vector<4096x1xf32>
      %add3A_28 = arith.addf %get3A_27, %broadcast_in_dim3A : vector<4096x1xf32>
      %swap3A_29 = arith.constant 0 : index
      %swap3A_30 = arith.constant 0 : index
      %swap3A_31 = vector.load %arg4[%swap3A_29, %swap3A_30] : memref<4096x1xf32, #tpu.memory_space<vmem>>, vector<4096x1xf32>
      tpu.vector_store %arg4[%swap3A_29, %swap3A_30], %add3A_28 {strides = array<i32>} : memref<4096x1xf32, #tpu.memory_space<vmem>>, vector<4096x1xf32>,
    } else {
    }
    %eq3A_20 = arith.constant 195 : i32
    %eq3A_21 = arith.cmpi eq, %arg0, %eq3A_20 : i32
    %convert_element_type3A_22 = arith.extui %eq3A_21 : i1 to i32
    %cond3A_23 = arith.constant 0 : i32
    %cond3A_24 = arith.cmpi ne, %convert_element_type3A_22, %cond3A_23 : i32
    scf.if %cond3A_24 {
      %get3A_25 = arith.constant 0 : index
      %get3A_26 = arith.constant 0 : index
      %get3A_27 = vector.load %arg4[%get3A_25, %get3A_26] : memref<4096x1xf32, #tpu.memory_space<vmem>>, vector<4096x1xf32>
      %log3A = math.log %get3A_27 : vector<4096x1xf32>
      %swap3A_28 = arith.constant 0 : index
      %swap3A_29 = arith.constant 0 : index
      %swap3A_30 = vector.load %arg4[%swap3A_28, %swap3A_29] : memref<4096x1xf32, #tpu.memory_space<vmem>>, vector<4096x1xf32>
      tpu.vector_store %arg4[%swap3A_28, %swap3A_29], %log3A {strides = array<i32>} : memref<4096x1xf32, #tpu.memory_space<vmem>>, vector<4096x1xf32>,
    } else {
    }
    return
  }
  func.func @transform_0(%arg0: i32) -> (i32, i32) {
    %c0_i32 = arith.constant 0 : i32
    %c0_i32_0 = arith.constant 0 : i32
    %c0_i32_1 = arith.constant 0 : i32
    return %c0_i32, %c0_i32_0 : i32, i32
  }
  func.func @transform_1(%arg0: i32) -> (i32, i32) {
    %c0_i32 = arith.constant 0 : i32
    %c0_i32_0 = arith.constant 0 : i32
    return %arg0, %c0_i32 : i32, i32
  }
  func.func @transform_2(%arg0: i32) -> (i32, i32) {
    %c0_i32 = arith.constant 0 : i32
    %c0_i32_0 = arith.constant 0 : i32
    return %c0_i32, %arg0 : i32, i32
  }
  func.func @transform_3(%arg0: i32) -> (i32, i32) {
    %c0_i32 = arith.constant 0 : i32
    %c0_i32_0 = arith.constant 0 : i32
    %c0_i32_1 = arith.constant 0 : i32
    return %c0_i32, %c0_i32_0 : i32, i32
  }
  func.func @transform_4(%arg0: i32) -> (i32, i32) {
    %c0_i32 = arith.constant 0 : i32
    %c0_i32_0 = arith.constant 0 : i32
    return %c0_i32, %arg0 : i32, i32
  }
}

</mosaic_0001>

<sc_bundles>
// kernel: kernel.4.cloned.1.call-start
scs
__scs_entry_jumppad:
0x0: {  	(pc) =	sbr.rel $0x88, $3  }
0x1: {  	(tag) =	ssettag $0x0;
	lr =	simm.s32 $0x1  }
0x2: {  	[smem:$0x3F9D] =	sst lr;
	_ =	strace $0xD0000000  }
0x3: {  	_ = 	snop  }
0x4: {  	_ = 	snop  }
0x5: {  	_ = 	snop  }
0x6: {  	_ = 	snop  }
0x7: {  	_ = 	snop  }
__scs_overlays_trampoline_lowered:
0x8: {  	[smem:$0x3FAC] =	sst s0  }
0x9: {  	[smem:$0x3FAD] =	sst s1  }
0xa: {  	[smem:$0x3FAE] =	sst s2  }
0xb: {  	[smem:$0x3FAF] =	sst s3  }
0xc: {  	[smem:$0x3FB0] =	sst s4  }
0xd: {  	[smem:$0x3FB1] =	sst s5  }
0xe: {  	[smem:$0x3FB2] =	sst s6  }
0xf: {  	[smem:$0x3FB3] =	sst s7  }
0x10: {  	[smem:$0x3FB4] =	sst s8  }
0x11: {  	[smem:$0x3FB5] =	sst s9;
	s0 =	simm.s32 @!p0 $0x0  }
0x12: {  	s1 =	sld [smem:$0x3F9B];
	s0 =	simm.s32 @p0 $0x1  }
0x13: {  	[smem:$0x3FB6] =	sst s0;
	s0 =	simm.s32 @!p1 $0x0  }
0x14: {  	s2 =	sld [smem:$0x3F9A];
	s0 =	simm.s32 @p1 $0x1  }
0x15: {  	[smem:$0x3FB7] =	sst s0;
	s0 =	simm.s32 @!p2 $0x0  }
0x16: {  	s3 =	sld [smem:$0x3FDB];
	s0 =	simm.s32 @p2 $0x1  }
0x17: {  	s4 =	simm.s32 $0x1BF5;
	[smem:$0x3FB9] =	sst s0  }
0x18: {  	s0 =	sld [smem:$0x3F9C];
	_ =	swait.ge [sflag:s4], $0x0  }
0x19: {  	s7 =	sld [smem:$0x3F9D]  }
0x1a: {  	s8 =	sadd.s32 $0xFFFFE003, lr  }
0x1b: {  	s9 =	sadd.s32 $0xFFFFFEF7, lr;
	s5 =	simm.s32 $0xFFFFFFFF;
	p2 =	slt.u32 s8, $0xFFFFF086  }
0x1c: {  	p1 =	slt.u32 s9, $0xF7A;
	s5 =	simm.s32 @!p2 $0x0  }
0x1d: {  	s5 =	simm.s32 @p1 $0x1;
	p0 =	seq.s32 s7, s2  }
0x1e: {  	s7 =	smul.u32 @!p0 $0xF7A, s2;
	p2 =	seq.s32 @!p0 s5, $0x0  }
0x1f: {  	s9 =	smul.u32 $0xF7A, s1;
	s8 =	simm.s32 @!p0 $0x1BF5;
	p2 =	por !p2, p0  }
0x20: {  	[sflag:s8] =	ssyncset.s32 @!p0 $0xFFFFF086;
	s6 =	sadd.s32 @!p0 s3, s7;
	s7 =	simm.s32 @!p0 $0x108  }
0x21: {  	s3 =	sadd.s32 s3, s9;
	s6 =	sadd.s32 @!p0 $0x88, s6;
	s7 =	simm.s32 @p2 $0x1082  }
0x22: {  	[simem:s7], [sflag:s8] =	dma.local @!p0 [hbm:s6], $0xF7A  }
0x23: {  	s9 =	sor.u32 $0xD0000000, s2;
	s6 =	simm.s32 $0x108;
	_ =	swait.ge @!p0 [sflag:s8], $0x0  }
0x24: {  	s3 =	sadd.s32 $0x88, s3;
	s6 =	simm.s32 @!p1 $0x1082;
	[sflag:s4] =	ssyncset.s32 $0xFFFFF086  }
0x25: {  	[simem:s6], [sflag:s4] =	dma.local [hbm:s3], $0xF7A  }
0x26: {  	[smem:$0x3F9D] =	sst s1;
	(tag) =	ssettag s2;
	_ =	strace s9  }
0x27: {  	s1 =	sld [smem:$0x3FAD]  }
0x28: {  	s2 =	sld [smem:$0x3FAE]  }
0x29: {  	s4 =	sld [smem:$0x3FB0]  }
0x2a: {  	p0 =	seq.s32 s5, $0x0;
	s5 =	sld [smem:$0x3FB1]  }
0x2b: {  	s6 =	sld [smem:$0x3FB2]  }
0x2c: {  	s7 =	sld [smem:$0x3FB3]  }
0x2d: {  	s3 =	simm.s32 $0x108;
	s8 =	sld [smem:$0x3FB4]  }
0x2e: {  	s3 =	simm.s32 @!p0 $0x1082;
	s9 =	sld [smem:$0x3FB5]  }
0x2f: {  	lr =	sadd.s32 s0, s3;
	s0 =	sld [smem:$0x3FAC]  }
0x30: {  	s3 =	sld [smem:$0x3FAF]  }
0x31: {  	[smem:$0x3FB8] =	sst s10  }
0x32: {  	s10 =	sld [smem:$0x3FB6];
	_ =	sdelay $0x3  }
0x33: {  	p0 =	seq.s32 s10, $0x1;
	s10 =	sld [smem:$0x3FB8];
	_ =	sdelay $0x3  }
0x34: {  	[smem:$0x3FB8] =	sst s10  }
0x35: {  	s10 =	sld [smem:$0x3FB7];
	_ =	sdelay $0x3  }
0x36: {  	p1 =	seq.s32 s10, $0x1;
	s10 =	sld [smem:$0x3FB8];
	_ =	sdelay $0x3  }
0x37: {  	[smem:$0x3FB8] =	sst s10  }
0x38: {  	s10 =	sld [smem:$0x3FB9]  }
0x39: {  	_ = 	snop;
	(pc) =	sbr.ind lr, $3  }
0x3a: {  	_ = 	snop  }
0x3b: {  	_ = 	snop  }
0x3c: {  	p2 =	seq.s32 s10, $0x1;
	s10 =	sld [smem:$0x3FB8]  }
0x3d: {  	_ =	shalt  }
0x3e: {  	_ =	shalt  }
0x3f: {  	_ =	shalt  }
0x40: {  	_ =	shalt  }
0x41: {  	_ =	shalt  }
0x42: {  	_ =	shalt  }
0x43: {  	_ =	shalt  }
0x44: {  	_ =	shalt  }
0x45: {  	_ =	shalt  }
0x46: {  	_ =	shalt  }
0x47: {  	_ =	shalt  }
0x48: {  	_ =	shalt  }
0x49: {  	_ =	shalt  }
0x4a: {  	_ =	shalt  }
0x4b: {  	_ =	shalt  }
0x4c: {  	_ =	shalt  }
0x4d: {  	_ =	shalt  }
0x4e: {  	_ =	shalt  }
0x4f: {  	_ =	shalt  }
0x50: {  	_ =	shalt  }
0x51: {  	_ =	shalt  }
0x52: {  	_ =	shalt  }
0x53: {  	_ =	shalt  }
0x54: {  	_ =	shalt  }
0x55: {  	_ =	shalt  }
0x56: {  	_ =	shalt  }
0x57: {  	_ =	shalt  }
0x58: {  	_ =	shalt  }
0x59: {  	_ =	shalt  }
0x5a: {  	_ =	shalt  }
0x5b: {  	_ =	shalt  }
0x5c: {  	_ =	shalt  }
0x5d: {  	_ =	shalt  }
0x5e: {  	_ =	shalt  }
0x5f: {  	_ =	shalt  }
0x60: {  	_ =	shalt  }
0x61: {  	_ =	shalt  }
0x62: {  	_ =	shalt  }
0x63: {  	_ =	shalt  }
0x64: {  	_ =	shalt  }
0x65: {  	_ =	shalt  }
0x66: {  	_ =	shalt  }
0x67: {  	_ =	shalt  }
0x68: {  	_ =	shalt  }
0x69: {  	_ =	shalt  }
0x6a: {  	_ =	shalt  }
0x6b: {  	_ =	shalt  }
0x6c: {  	_ =	shalt  }
0x6d: {  	_ =	shalt  }
0x6e: {  	_ =	shalt  }
0x6f: {  	_ =	shalt  }
0x70: {  	_ =	shalt  }
0x71: {  	_ =	shalt  }
0x72: {  	_ =	shalt  }
0x73: {  	_ =	shalt  }
0x74: {  	_ =	shalt  }
0x75: {  	_ =	shalt  }
0x76: {  	_ =	shalt  }
0x77: {  	_ =	shalt  }
0x78: {  	_ =	shalt  }
0x79: {  	_ =	shalt  }
0x7a: {  	_ =	shalt  }
0x7b: {  	_ =	shalt  }
0x7c: {  	_ =	shalt  }
0x7d: {  	_ =	shalt  }
0x7e: {  	_ =	shalt  }
0x7f: {  	_ =	shalt  }
0x80: {  	_ =	shalt  }
0x81: {  	_ =	shalt  }
0x82: {  	_ =	shalt  }
0x83: {  	_ =	shalt  }
0x84: {  	_ =	shalt  }
0x85: {  	_ =	shalt  }
0x86: {  	_ =	shalt  }
0x87: {  	_ =	shalt  }
.Lfunc_end0:
.L_simem_size_0:
called_computation_lowered:
.L_overlay_start_0:
0x88: {  	s2 =	sld [smem:$0x3FD9]  }
0x89: {  	s3 =	sld [smem:$0x3FFE];
	_ =	sdelay $0x1  }
0x8a: {  	s1 =	srdreg.scid  }
0x8b: {  	s0 =	sand.u32 $0x1, s1  }
0x8c: {  	s17 =	sshll.u32 s0, $0xA;
	s2 =	sadd.s32 s3, s2  }
0x8d: {  	s2 =	sadd.s32 s2, s17  }
0x8e: {  	[smem:$0x3FC4] =	sst s2  }
0x8f: {  	_ = 	snop  }
0x90: {  	s2 =	sld [smem:$0x3FC8];
	(tm) =	ssettm $0x1  }
0x91: {  	s18 =	sld [smem:$0x3FFB];
	_ =	sdelay $0x3  }
0x92: {  	_ =	strace s18  }
0x93: {  	s3 =	sld [smem:$0x3FFC];
	_ =	sdelay $0x3  }
0x94: {  	_ =	strace s3  }
0x95: {  	s3 =	sld [smem:$0x3FFD];
	_ =	sdelay $0x3  }
0x96: {  	_ =	strace s3  }
0x97: {  	_ =	strace $0x8FFFFFFF  }
0x98: {  	s19 =	sld [smem:$0x3FDB];
	_ =	sdelay $0x1  }
0x99: {  	s4 =	simm.s32 $_scs_section_size  }
0x9a: {  	s5 =	simm.s32 $_size__tile_overlayer_lowered;
	s6 =	simm.s32 $_tile_overlayer_lowered  }
0x9b: {  	s22 =	simm.s32 $0x1BFF;
	s21 =	sshll.u32 s6, $0x1;
	s3 =	sadd.s32 s4, s19  }
0x9c: {  	s7 =	simm.s32 $0x0;
	s20 =	sshll.u32 s5, $0x1;
	s5 =	sadd.s32 s21, s3  }
0x9d: {  	[timem:s7], [sflag:s22] =	dma.local [hbm:s5], s20  }
0x9e: {  	_ =	swait.ge [sflag:s22], s20  }
0x9f: {  	s4 =	ssub.s32 $0x0, s20;
	[sflag:s22] =	ssyncset.done $0x0  }
0xa0: {  	[sflag:s22] =	ssyncadd.s32 s4;
	_ =	sdelay $0x1  }
0xa1: {  	s23 =	simm.s32 $0x1B8B  }
0xa2: {  	_ =	swait.ge [sflag:s23], $0x1  }
0xa3: {  	[sflag:s23] =	ssyncset.done $0x0  }
0xa4: {  	s25 =	simm.s32 $0x1B8E;
	s24 =	sld [smem:$0x3FFE];
	[sflag:s23] =	ssyncadd.s32 $0xFFFFFFFF  }
0xa5: {  	s26 =	simm.s32 $execute0_lowered;
	[smem:$0x3FD2] =	sst s25  }
0xa6: {  	s5 =	sshll.u32 s26, $0x1;
	_ =	strace $0x80000046;
	[dreg:$0x1] =	wrdreg $0xFFFFFFFF  }
0xa7: {  	s28 =	simm.s32 $_size_execute0_lowered;
	s3 =	sadd.s32 s3, s5;
	[dreg:$0x0] =	wrdreg $0x0  }
0xa8: {  	s5 =	sshll.u32 s28, $0x1;
	[dreg:$0x2] =	wrdreg s3  }
0xa9: {  	[dreg:$0x3] =	wrdreg s5  }
0xaa: {  	[dreg:$0x4] =	wrdreg $0xC0  }
0xab: {  	_ =	task [dreg:s7], $0x5FFFF  }
0xac: {  	[dreg:$0x1] =	wrdreg $0xFFFFFFFF  }
0xad: {  	[dreg:$0x0] =	wrdreg $0x60  }
0xae: {  	[dreg:$0x2] =	wrdreg s24  }
0xaf: {  	[dreg:$0x3] =	wrdreg s2  }
0xb0: {  	[dreg:$0x4] =	wrdreg $0x9  }
0xb1: {  	_ =	task.clear_ibuf [dreg:s7], $0x5FFFF;
	_ =	strace $0x90000046  }
0xb2: {  	s29 =	simm.s32 $0x9;
	_ =	strace $0x80000048  }
0xb3: {  	_ =	swait.ge [sflag:s29], $0x1  }
0xb4: {  	[sflag:s29] =	ssyncadd.s32 $0xFFFFFFFF  }
0xb5: {  	_ =	strace $0x90000048  }
0xb6: {  	_ =	sfence  }
0xb7: {  	s30 =	sld [smem:$0x0];
	_ =	sdelay $0x2  }
0xb8: {  	s31 =	sshll.u32 s1, $0xD;
	s1 =	sshrl.u32 s1, $0x2  }
0xb9: {  	s3 =	sand.u32 $0x4000, s31;
	s1 =	sadd.s32 s1, s30  }
0xba: {  	s0 =	sor.u32 s3, s0;
	s1 =	sshll.u32 s1, $0x11  }
0xbb: {  	s0 =	sor.u32 s1, s0  }
0xbc: {  	s0 =	sadd.s32 $0x8F2B, s0  }
0xbd: {  	[sflag:s0] =	ssyncadd.remote.s32 $0x1  }
0xbe: {  	_ =	sfence.sel $0xFFFF  }
0xbf: {  	[dreg:$0x0] =	wrdreg $0xFFFFFFFF;
	(pc) =	sbr.abs _section_cstart, $3  }
0xc0: {  	[dreg:$0x1] =	wrdreg $0xFFFFFFFF  }
0xc1: {  	_ =	task.clear_ibuf [dreg:s7], $0x2FFFF;
	_ =	strace $0x9FFFFFFF  }
0xc2: {  	(tm) =	ssettm $0x7FFFFFFF  }
0xc3: {  	_ =	shalt  }
tec
execute0_lowered:
.L_overlay_start_1:
0x0: {  	(tag) =	ssettag $0x1  }
0x1: {  	s5 =	rddreg [dreg:$0x0]  }
0x2: {  	s1 =	rddreg [dreg:$0x1]  }
0x3: {  	s0 =	rddreg [dreg:$0x2]  }
0x4: {  	s2 =	simm.s32 $0x0;
	s3 =	srdreg.scid;
	s9 =	simm.s32 $0x140  }
0x5: {  	s10 =	simm.s32 $0x180;
	s11 =	simm.s32 $0x1;
	s12 =	simm.s32 $0xA180  }
0x6: {  	s13 =	simm.s32 $0x0;
	[smem:$0x7FF] =	sst s2;
	s6 =	sand.u32 $0x1, s3  }
0x7: {  	s4 =	sadd.s32 $0xA00, s5;
	s3 =	stileid.u32;
	s7 =	ssub.s32 $0x2, s6  }
0x8: {  	s5 =	sadd.s32 $0x3200, s5;
	_ =	strace $0x80000047;
	s8 =	sshrl.u32 s7, $0x1  }
0x9: {  	s31 =	sshll.u32 s3, $0x8;
	s6 =	sshll.u32 s6, $0x7;
	s7 =	ssub.s32 s7, s8  }
0xa: {  	s6 =	sor.u32 s6, s31;
	s8 =	simm.s32 $0x2;
	s7 =	smax.u32 s7, $0x1  }
.LBB2_1:
0xb: {  	s14 =	simm.s32 $0x0  }
.LBB2_2:
0xc: {  	s15 =	sshll.u32 s14, $0x4  }
0xd: {  	s15 =	sadd.s32 s6, s15  }
0xe: {  	s16 =	smul.u32 $0x14, s15;
	_ =	sdelay $0x1  }
0xf: {  	s16 =	sshrl.u32 s16, $0x3  }
0x10: {  	s17 =	simm.s32 $0x0;
	s16 =	sadd.s32 s4, s16  }
0x11: {  	[tilespmem:s17], [sflag:$0x2] =	stream.linear.gather [hbm4b:s16+s17], $0x140, $0x38;
	[tilespmem:$0xA980] =	vst v63  }
0x12: {  	_ =	swait.ge [sflag:s8], $0x140  }
0x13: {  	[sflag:s8] =	ssyncset.done $0x0  }
0x14: {  	[sflag:s8] =	ssyncadd.s32 $0xFFFFFEC0  }
0x15: {  	[tilespmem:s10], [sflag:$0x1] =	stream.indirect.gather [hbm4b:s1+s9], $0x80, s17, s9, $0xb8;
	[tilespmem:$0xA980] =	vst v63  }
0x16: {  	_ =	swait.ge [sflag:s11], $0xA000  }
0x17: {  	[sflag:s11] =	ssyncset.done $0x0  }
0x18: {  	s16 =	simm.s32 $0x680;
	[sflag:s11] =	ssyncadd.s32 $0xFFFF6000  }
0x19: {  	v0 =	vld [tilespmem:s16+$0xFFFFFB80]  }
0x1a: {  	v1 =	vld [tilespmem:s16+$0xFFFFFB00];
	_ =	sdelay $0x1  }
0x1b: {  	v2 =	vld [tilespmem:s16+$0xFFFFFC00];
	_ =	sdelay $0x1  }
0x1c: {  	v3 =	vld [tilespmem:s16+$0xFFFFFC80]  }
0x1d: {  	v0 =	vadd.f32 v0, v1  }
0x1e: {  	v1 =	vld [tilespmem:s16+$0xFFFFFD00]  }
0x1f: {  	v0 =	vadd.f32 v2, v0  }
0x20: {  	v2 =	vld [tilespmem:s16+$0xFFFFFD80]  }
0x21: {  	v0 =	vadd.f32 v3, v0  }
0x22: {  	v3 =	vld [tilespmem:s16+$0xFFFFFE00]  }
0x23: {  	v0 =	vadd.f32 v1, v0  }
0x24: {  	v1 =	vld [tilespmem:s16+$0xFFFFFE80]  }
0x25: {  	v0 =	vadd.f32 v2, v0  }
0x26: {  	v2 =	vld [tilespmem:s16+$0xFFFFFF00]  }
0x27: {  	v0 =	vadd.f32 v3, v0  }
0x28: {  	v3 =	vld [tilespmem:s16+$0xFFFFFF80]  }
0x29: {  	v0 =	vadd.f32 v1, v0  }
0x2a: {  	v1 =	vld [tilespmem:s16+$0x0]  }
0x2b: {  	v0 =	vadd.f32 v2, v0  }
0x2c: {  	v2 =	vld [tilespmem:s16+$0x80]  }
0x2d: {  	v0 =	vadd.f32 v3, v0  }
0x2e: {  	v3 =	vld [tilespmem:s16+$0x100]  }
0x2f: {  	v0 =	vadd.f32 v1, v0  }
0x30: {  	v1 =	vld [tilespmem:s16+$0x180]  }
0x31: {  	v0 =	vadd.f32 v2, v0  }
0x32: {  	v2 =	vld [tilespmem:s16+$0x200]  }
0x33: {  	v0 =	vadd.f32 v3, v0  }
0x34: {  	v3 =	vld [tilespmem:s16+$0x280]  }
0x35: {  	v0 =	vadd.f32 v1, v0  }
0x36: {  	v1 =	vld [tilespmem:s16+$0x300]  }
0x37: {  	v0 =	vadd.f32 v2, v0  }
0x38: {  	v2 =	vld [tilespmem:s16+$0x380]  }
0x39: {  	v0 =	vadd.f32 v3, v0  }
0x3a: {  	v3 =	vld [tilespmem:s16+$0x400]  }
0x3b: {  	v0 =	vadd.f32 v1, v0  }
0x3c: {  	v1 =	vld [tilespmem:s16+$0x480]  }
0x3d: {  	v0 =	vadd.f32 v2, v0;
	_ =	sdelay $0x1  }
0x3e: {  	v0 =	vadd.f32 v3, v0;
	_ =	sdelay $0x1  }
0x3f: {  	v0 =	vadd.f32 v1, v0;
	_ =	sdelay $0x1  }
0x40: {  	v0 =	vmul.f32 $5.000000070e-02, v0  }
0x41: {  	s17 =	simm.s32 $0x0  }
0x42: {  	[tilespmem:s17+$0xA180] =	vst v0  }
0x43: {  	v0 =	vld [tilespmem:s16+$0xFFFFFB10]  }
0x44: {  	v1 =	vld [tilespmem:s16+$0xFFFFFB90];
	_ =	sdelay $0x1  }
0x45: {  	v2 =	vld [tilespmem:s16+$0xFFFFFC10];
	_ =	sdelay $0x1  }
0x46: {  	v3 =	vld [tilespmem:s16+$0xFFFFFC90]  }
0x47: {  	v0 =	vadd.f32 v1, v0  }
0x48: {  	v1 =	vld [tilespmem:s16+$0xFFFFFD10]  }
0x49: {  	v0 =	vadd.f32 v2, v0  }
0x4a: {  	v2 =	vld [tilespmem:s16+$0xFFFFFD90]  }
0x4b: {  	v0 =	vadd.f32 v3, v0  }
0x4c: {  	v3 =	vld [tilespmem:s16+$0xFFFFFE10]  }
0x4d: {  	v0 =	vadd.f32 v1, v0  }
0x4e: {  	v1 =	vld [tilespmem:s16+$0xFFFFFE90]  }
0x4f: {  	v0 =	vadd.f32 v2, v0  }
0x50: {  	v2 =	vld [tilespmem:s16+$0xFFFFFF10]  }
0x51: {  	v0 =	vadd.f32 v3, v0  }
0x52: {  	v3 =	vld [tilespmem:s16+$0xFFFFFF90]  }
0x53: {  	v0 =	vadd.f32 v1, v0  }
0x54: {  	v1 =	vld [tilespmem:s16+$0x10]  }
0x55: {  	v0 =	vadd.f32 v2, v0  }
0x56: {  	v2 =	vld [tilespmem:s16+$0x90]  }
0x57: {  	v0 =	vadd.f32 v3, v0  }
0x58: {  	v3 =	vld [tilespmem:s16+$0x110]  }
0x59: {  	v0 =	vadd.f32 v1, v0  }
0x5a: {  	v1 =	vld [tilespmem:s16+$0x190]  }
0x5b: {  	v0 =	vadd.f32 v2, v0  }
0x5c: {  	v2 =	vld [tilespmem:s16+$0x210]  }
0x5d: {  	v0 =	vadd.f32 v3, v0  }
0x5e: {  	v3 =	vld [tilespmem:s16+$0x290]  }
0x5f: {  	v0 =	vadd.f32 v1, v0  }
0x60: {  	v1 =	vld [tilespmem:s16+$0x310]  }
0x61: {  	v0 =	vadd.f32 v2, v0  }
0x62: {  	v2 =	vld [tilespmem:s16+$0x390]  }
0x63: {  	v0 =	vadd.f32 v3, v0  }
0x64: {  	v3 =	vld [tilespmem:s16+$0x410]  }
0x65: {  	v0 =	vadd.f32 v1, v0  }
0x66: {  	v1 =	vld [tilespmem:s16+$0x490]  }
0x67: {  	v0 =	vadd.f32 v2, v0;
	_ =	sdelay $0x1  }
0x68: {  	v0 =	vadd.f32 v3, v0;
	_ =	sdelay $0x1  }
0x69: {  	v0 =	vadd.f32 v1, v0;
	_ =	sdelay $0x1  }
0x6a: {  	v0 =	vmul.f32 $5.000000070e-02, v0;
	_ =	sdelay $0x1  }
0x6b: {  	[tilespmem:s17+$0xA190] =	vst v0  }
0x6c: {  	v0 =	vld [tilespmem:s16+$0xFFFFFB20]  }
0x6d: {  	v1 =	vld [tilespmem:s16+$0xFFFFFBA0];
	_ =	sdelay $0x1  }
0x6e: {  	v2 =	vld [tilespmem:s16+$0xFFFFFC20];
	_ =	sdelay $0x1  }
0x6f: {  	v3 =	vld [tilespmem:s16+$0xFFFFFCA0]  }
0x70: {  	v0 =	vadd.f32 v1, v0  }
0x71: {  	v1 =	vld [tilespmem:s16+$0xFFFFFD20]  }
0x72: {  	v0 =	vadd.f32 v2, v0  }
0x73: {  	v2 =	vld [tilespmem:s16+$0xFFFFFDA0]  }
0x74: {  	v0 =	vadd.f32 v3, v0  }
0x75: {  	v3 =	vld [tilespmem:s16+$0xFFFFFE20]  }
0x76: {  	v0 =	vadd.f32 v1, v0  }
0x77: {  	v1 =	vld [tilespmem:s16+$0xFFFFFEA0]  }
0x78: {  	v0 =	vadd.f32 v2, v0  }
0x79: {  	v2 =	vld [tilespmem:s16+$0xFFFFFF20]  }
0x7a: {  	v0 =	vadd.f32 v3, v0  }
0x7b: {  	v3 =	vld [tilespmem:s16+$0xFFFFFFA0]  }
0x7c: {  	v0 =	vadd.f32 v1, v0  }
0x7d: {  	v1 =	vld [tilespmem:s16+$0x20]  }
0x7e: {  	v0 =	vadd.f32 v2, v0  }
0x7f: {  	v2 =	vld [tilespmem:s16+$0xA0]  }
0x80: {  	v0 =	vadd.f32 v3, v0  }
0x81: {  	v3 =	vld [tilespmem:s16+$0x120]  }
0x82: {  	v0 =	vadd.f32 v1, v0  }
0x83: {  	v1 =	vld [tilespmem:s16+$0x1A0]  }
0x84: {  	v0 =	vadd.f32 v2, v0  }
0x85: {  	v2 =	vld [tilespmem:s16+$0x220]  }
0x86: {  	v0 =	vadd.f32 v3, v0  }
0x87: {  	v3 =	vld [tilespmem:s16+$0x2A0]  }
0x88: {  	v0 =	vadd.f32 v1, v0  }
0x89: {  	v1 =	vld [tilespmem:s16+$0x320]  }
0x8a: {  	v0 =	vadd.f32 v2, v0  }
0x8b: {  	v2 =	vld [tilespmem:s16+$0x3A0]  }
0x8c: {  	v0 =	vadd.f32 v3, v0  }
0x8d: {  	v3 =	vld [tilespmem:s16+$0x420]  }
0x8e: {  	v0 =	vadd.f32 v1, v0  }
0x8f: {  	v1 =	vld [tilespmem:s16+$0x4A0]  }
0x90: {  	v0 =	vadd.f32 v2, v0;
	_ =	sdelay $0x1  }
0x91: {  	v0 =	vadd.f32 v3, v0;
	_ =	sdelay $0x1  }
0x92: {  	v0 =	vadd.f32 v1, v0;
	_ =	sdelay $0x1  }
0x93: {  	v0 =	vmul.f32 $5.000000070e-02, v0;
	_ =	sdelay $0x1  }
0x94: {  	[tilespmem:s17+$0xA1A0] =	vst v0  }
0x95: {  	v0 =	vld [tilespmem:s16+$0xFFFFFB30]  }
0x96: {  	v1 =	vld [tilespmem:s16+$0xFFFFFBB0];
	_ =	sdelay $0x1  }
0x97: {  	v2 =	vld [tilespmem:s16+$0xFFFFFC30];
	_ =	sdelay $0x1  }
0x98: {  	v3 =	vld [tilespmem:s16+$0xFFFFFCB0]  }
0x99: {  	v0 =	vadd.f32 v1, v0  }
0x9a: {  	v1 =	vld [tilespmem:s16+$0xFFFFFD30]  }
0x9b: {  	v0 =	vadd.f32 v2, v0  }
0x9c: {  	v2 =	vld [tilespmem:s16+$0xFFFFFDB0]  }
0x9d: {  	v0 =	vadd.f32 v3, v0  }
0x9e: {  	v3 =	vld [tilespmem:s16+$0xFFFFFE30]  }
0x9f: {  	v0 =	vadd.f32 v1, v0  }
0xa0: {  	v1 =	vld [tilespmem:s16+$0xFFFFFEB0]  }
0xa1: {  	v0 =	vadd.f32 v2, v0  }
0xa2: {  	v2 =	vld [tilespmem:s16+$0xFFFFFF30]  }
0xa3: {  	v0 =	vadd.f32 v3, v0  }
0xa4: {  	v3 =	vld [tilespmem:s16+$0xFFFFFFB0]  }
0xa5: {  	v0 =	vadd.f32 v1, v0  }
0xa6: {  	v1 =	vld [tilespmem:s16+$0x30]  }
0xa7: {  	v0 =	vadd.f32 v2, v0  }
0xa8: {  	v2 =	vld [tilespmem:s16+$0xB0]  }
0xa9: {  	v0 =	vadd.f32 v3, v0  }
0xaa: {  	v3 =	vld [tilespmem:s16+$0x130]  }
0xab: {  	v0 =	vadd.f32 v1, v0  }
0xac: {  	v1 =	vld [tilespmem:s16+$0x1B0]  }
0xad: {  	v0 =	vadd.f32 v2, v0  }
0xae: {  	v2 =	vld [tilespmem:s16+$0x230]  }
0xaf: {  	v0 =	vadd.f32 v3, v0  }
0xb0: {  	v3 =	vld [tilespmem:s16+$0x2B0]  }
0xb1: {  	v0 =	vadd.f32 v1, v0  }
0xb2: {  	v1 =	vld [tilespmem:s16+$0x330]  }
0xb3: {  	v0 =	vadd.f32 v2, v0  }
0xb4: {  	v2 =	vld [tilespmem:s16+$0x3B0]  }
0xb5: {  	v0 =	vadd.f32 v3, v0  }
0xb6: {  	v3 =	vld [tilespmem:s16+$0x430]  }
0xb7: {  	v0 =	vadd.f32 v1, v0  }
0xb8: {  	v1 =	vld [tilespmem:s16+$0x4B0]  }
0xb9: {  	v0 =	vadd.f32 v2, v0;
	_ =	sdelay $0x1  }
0xba: {  	v0 =	vadd.f32 v3, v0;
	_ =	sdelay $0x1  }
0xbb: {  	v0 =	vadd.f32 v1, v0;
	_ =	sdelay $0x1  }
0xbc: {  	v0 =	vmul.f32 $5.000000070e-02, v0;
	_ =	sdelay $0x1  }
0xbd: {  	[tilespmem:s17+$0xA1B0] =	vst v0  }
0xbe: {  	v0 =	vld [tilespmem:s16+$0xFFFFFB40]  }
0xbf: {  	v1 =	vld [tilespmem:s16+$0xFFFFFBC0];
	_ =	sdelay $0x1  }
0xc0: {  	v2 =	vld [tilespmem:s16+$0xFFFFFC40];
	_ =	sdelay $0x1  }
0xc1: {  	v3 =	vld [tilespmem:s16+$0xFFFFFCC0]  }
0xc2: {  	v0 =	vadd.f32 v1, v0  }
0xc3: {  	v1 =	vld [tilespmem:s16+$0xFFFFFD40]  }
0xc4: {  	v0 =	vadd.f32 v2, v0  }
0xc5: {  	v2 =	vld [tilespmem:s16+$0xFFFFFDC0]  }
0xc6: {  	v0 =	vadd.f32 v3, v0  }
0xc7: {  	v3 =	vld [tilespmem:s16+$0xFFFFFE40]  }
0xc8: {  	v0 =	vadd.f32 v1, v0  }
0xc9: {  	v1 =	vld [tilespmem:s16+$0xFFFFFEC0]  }
0xca: {  	v0 =	vadd.f32 v2, v0  }
0xcb: {  	v2 =	vld [tilespmem:s16+$0xFFFFFF40]  }
0xcc: {  	v0 =	vadd.f32 v3, v0  }
0xcd: {  	v3 =	vld [tilespmem:s16+$0xFFFFFFC0]  }
0xce: {  	v0 =	vadd.f32 v1, v0  }
0xcf: {  	v1 =	vld [tilespmem:s16+$0x40]  }
0xd0: {  	v0 =	vadd.f32 v2, v0  }
0xd1: {  	v2 =	vld [tilespmem:s16+$0xC0]  }
0xd2: {  	v0 =	vadd.f32 v3, v0  }
0xd3: {  	v3 =	vld [tilespmem:s16+$0x140]  }
0xd4: {  	v0 =	vadd.f32 v1, v0  }
0xd5: {  	v1 =	vld [tilespmem:s16+$0x1C0]  }
0xd6: {  	v0 =	vadd.f32 v2, v0  }
0xd7: {  	v2 =	vld [tilespmem:s16+$0x240]  }
0xd8: {  	v0 =	vadd.f32 v3, v0  }
0xd9: {  	v3 =	vld [tilespmem:s16+$0x2C0]  }
0xda: {  	v0 =	vadd.f32 v1, v0  }
0xdb: {  	v1 =	vld [tilespmem:s16+$0x340]  }
0xdc: {  	v0 =	vadd.f32 v2, v0  }
0xdd: {  	v2 =	vld [tilespmem:s16+$0x3C0]  }
0xde: {  	v0 =	vadd.f32 v3, v0  }
0xdf: {  	v3 =	vld [tilespmem:s16+$0x440]  }
0xe0: {  	v0 =	vadd.f32 v1, v0  }
0xe1: {  	v1 =	vld [tilespmem:s16+$0x4C0]  }
0xe2: {  	v0 =	vadd.f32 v2, v0;
	_ =	sdelay $0x1  }
0xe3: {  	v0 =	vadd.f32 v3, v0;
	_ =	sdelay $0x1  }
0xe4: {  	v0 =	vadd.f32 v1, v0;
	_ =	sdelay $0x1  }
0xe5: {  	v0 =	vmul.f32 $5.000000070e-02, v0;
	_ =	sdelay $0x1  }
0xe6: {  	[tilespmem:s17+$0xA1C0] =	vst v0  }
0xe7: {  	v0 =	vld [tilespmem:s16+$0xFFFFFB50]  }
0xe8: {  	v1 =	vld [tilespmem:s16+$0xFFFFFBD0];
	_ =	sdelay $0x1  }
0xe9: {  	v2 =	vld [tilespmem:s16+$0xFFFFFC50];
	_ =	sdelay $0x1  }
0xea: {  	v3 =	vld [tilespmem:s16+$0xFFFFFCD0]  }
0xeb: {  	v0 =	vadd.f32 v1, v0  }
0xec: {  	v1 =	vld [tilespmem:s16+$0xFFFFFD50]  }
0xed: {  	v0 =	vadd.f32 v2, v0  }
0xee: {  	v2 =	vld [tilespmem:s16+$0xFFFFFDD0]  }
0xef: {  	v0 =	vadd.f32 v3, v0  }
0xf0: {  	v3 =	vld [tilespmem:s16+$0xFFFFFE50]  }
0xf1: {  	v0 =	vadd.f32 v1, v0  }
0xf2: {  	v1 =	vld [tilespmem:s16+$0xFFFFFED0]  }
0xf3: {  	v0 =	vadd.f32 v2, v0  }
0xf4: {  	v2 =	vld [tilespmem:s16+$0xFFFFFF50]  }
0xf5: {  	v0 =	vadd.f32 v3, v0  }
0xf6: {  	v3 =	vld [tilespmem:s16+$0xFFFFFFD0]  }
0xf7: {  	v0 =	vadd.f32 v1, v0  }
0xf8: {  	v1 =	vld [tilespmem:s16+$0x50]  }
0xf9: {  	v0 =	vadd.f32 v2, v0  }
0xfa: {  	v2 =	vld [tilespmem:s16+$0xD0]  }
0xfb: {  	v0 =	vadd.f32 v3, v0  }
0xfc: {  	v3 =	vld [tilespmem:s16+$0x150]  }
0xfd: {  	v0 =	vadd.f32 v1, v0  }
0xfe: {  	v1 =	vld [tilespmem:s16+$0x1D0]  }
0xff: {  	v0 =	vadd.f32 v2, v0  }
0x100: {  	v2 =	vld [tilespmem:s16+$0x250]  }
0x101: {  	v0 =	vadd.f32 v3, v0  }
0x102: {  	v3 =	vld [tilespmem:s16+$0x2D0]  }
0x103: {  	v0 =	vadd.f32 v1, v0  }
0x104: {  	v1 =	vld [tilespmem:s16+$0x350]  }
0x105: {  	v0 =	vadd.f32 v2, v0  }
0x106: {  	v2 =	vld [tilespmem:s16+$0x3D0]  }
0x107: {  	v0 =	vadd.f32 v3, v0  }
0x108: {  	v3 =	vld [tilespmem:s16+$0x450]  }
0x109: {  	v0 =	vadd.f32 v1, v0  }
0x10a: {  	v1 =	vld [tilespmem:s16+$0x4D0]  }
0x10b: {  	v0 =	vadd.f32 v2, v0;
	_ =	sdelay $0x1  }
0x10c: {  	v0 =	vadd.f32 v3, v0;
	_ =	sdelay $0x1  }
0x10d: {  	v0 =	vadd.f32 v1, v0;
	_ =	sdelay $0x1  }
0x10e: {  	v0 =	vmul.f32 $5.000000070e-02, v0;
	_ =	sdelay $0x1  }
0x10f: {  	[tilespmem:s17+$0xA1D0] =	vst v0  }
0x110: {  	v0 =	vld [tilespmem:s16+$0xFFFFFB60]  }
0x111: {  	v1 =	vld [tilespmem:s16+$0xFFFFFBE0];
	_ =	sdelay $0x1  }
0x112: {  	v2 =	vld [tilespmem:s16+$0xFFFFFC60];
	_ =	sdelay $0x1  }
0x113: {  	v3 =	vld [tilespmem:s16+$0xFFFFFCE0]  }
0x114: {  	v0 =	vadd.f32 v1, v0  }
0x115: {  	v1 =	vld [tilespmem:s16+$0xFFFFFD60]  }
0x116: {  	v0 =	vadd.f32 v2, v0  }
0x117: {  	v2 =	vld [tilespmem:s16+$0xFFFFFDE0]  }
0x118: {  	v0 =	vadd.f32 v3, v0  }
0x119: {  	v3 =	vld [tilespmem:s16+$0xFFFFFE60]  }
0x11a: {  	v0 =	vadd.f32 v1, v0  }
0x11b: {  	v1 =	vld [tilespmem:s16+$0xFFFFFEE0]  }
0x11c: {  	v0 =	vadd.f32 v2, v0  }
0x11d: {  	v2 =	vld [tilespmem:s16+$0xFFFFFF60]  }
0x11e: {  	v0 =	vadd.f32 v3, v0  }
0x11f: {  	v3 =	vld [tilespmem:s16+$0xFFFFFFE0]  }
0x120: {  	v0 =	vadd.f32 v1, v0  }
0x121: {  	v1 =	vld [tilespmem:s16+$0x60]  }
0x122: {  	v0 =	vadd.f32 v2, v0  }
0x123: {  	v2 =	vld [tilespmem:s16+$0xE0]  }
0x124: {  	v0 =	vadd.f32 v3, v0  }
0x125: {  	v3 =	vld [tilespmem:s16+$0x160]  }
0x126: {  	v0 =	vadd.f32 v1, v0  }
0x127: {  	v1 =	vld [tilespmem:s16+$0x1E0]  }
0x128: {  	v0 =	vadd.f32 v2, v0  }
0x129: {  	v2 =	vld [tilespmem:s16+$0x260]  }
0x12a: {  	v0 =	vadd.f32 v3, v0  }
0x12b: {  	v3 =	vld [tilespmem:s16+$0x2E0]  }
0x12c: {  	v0 =	vadd.f32 v1, v0  }
0x12d: {  	v1 =	vld [tilespmem:s16+$0x360]  }
0x12e: {  	v0 =	vadd.f32 v2, v0  }
0x12f: {  	v2 =	vld [tilespmem:s16+$0x3E0]  }
0x130: {  	v0 =	vadd.f32 v3, v0  }
0x131: {  	v3 =	vld [tilespmem:s16+$0x460]  }
0x132: {  	v0 =	vadd.f32 v1, v0  }
0x133: {  	v1 =	vld [tilespmem:s16+$0x4E0]  }
0x134: {  	v0 =	vadd.f32 v2, v0;
	_ =	sdelay $0x1  }
0x135: {  	v0 =	vadd.f32 v3, v0;
	_ =	sdelay $0x1  }
0x136: {  	v0 =	vadd.f32 v1, v0;
	_ =	sdelay $0x1  }
0x137: {  	v0 =	vmul.f32 $5.000000070e-02, v0;
	_ =	sdelay $0x1  }
0x138: {  	[tilespmem:s17+$0xA1E0] =	vst v0  }
0x139: {  	v0 =	vld [tilespmem:s16+$0xFFFFFB70]  }
0x13a: {  	v1 =	vld [tilespmem:s16+$0xFFFFFBF0];
	_ =	sdelay $0x1  }
0x13b: {  	v2 =	vld [tilespmem:s16+$0xFFFFFC70];
	_ =	sdelay $0x1  }
0x13c: {  	v3 =	vld [tilespmem:s16+$0xFFFFFCF0]  }
0x13d: {  	v0 =	vadd.f32 v1, v0  }
0x13e: {  	v1 =	vld [tilespmem:s16+$0xFFFFFD70]  }
0x13f: {  	v0 =	vadd.f32 v2, v0  }
0x140: {  	v2 =	vld [tilespmem:s16+$0xFFFFFDF0]  }
0x141: {  	v0 =	vadd.f32 v3, v0  }
0x142: {  	v3 =	vld [tilespmem:s16+$0xFFFFFE70]  }
0x143: {  	v0 =	vadd.f32 v1, v0  }
0x144: {  	v1 =	vld [tilespmem:s16+$0xFFFFFEF0]  }
0x145: {  	v0 =	vadd.f32 v2, v0  }
0x146: {  	v2 =	vld [tilespmem:s16+$0xFFFFFF70]  }
0x147: {  	v0 =	vadd.f32 v3, v0  }
0x148: {  	v3 =	vld [tilespmem:s16+$0xFFFFFFF0]  }
0x149: {  	v0 =	vadd.f32 v1, v0  }
0x14a: {  	v1 =	vld [tilespmem:s16+$0x70]  }
0x14b: {  	v0 =	vadd.f32 v2, v0  }
0x14c: {  	v2 =	vld [tilespmem:s16+$0xF0]  }
0x14d: {  	v0 =	vadd.f32 v3, v0  }
0x14e: {  	v3 =	vld [tilespmem:s16+$0x170]  }
0x14f: {  	v0 =	vadd.f32 v1, v0  }
0x150: {  	v1 =	vld [tilespmem:s16+$0x1F0]  }
0x151: {  	v0 =	vadd.f32 v2, v0  }
0x152: {  	v2 =	vld [tilespmem:s16+$0x270]  }
0x153: {  	v0 =	vadd.f32 v3, v0  }
0x154: {  	v3 =	vld [tilespmem:s16+$0x2F0]  }
0x155: {  	v0 =	vadd.f32 v1, v0  }
0x156: {  	v4 =	vld [tilespmem:s16+$0x370]  }
0x157: {  	v0 =	vadd.f32 v2, v0  }
0x158: {  	v2 =	vld [tilespmem:s16+$0x3F0]  }
0x159: {  	v3 =	vadd.f32 v3, v0  }
0x15a: {  	v0 =	vld [tilespmem:s16+$0x470]  }
0x15b: {  	s18 =	simm.s32 $0x200;
	v1 =	vld [tilespmem:s16+$0x4F0];
	v3 =	vadd.f32 v4, v3  }
.LBB2_3:
0x15c: {  	p0 =	sne.s32 s18, $0x1E00  }
0x15d: {  	s16 =	sadd.s32 $0xA00, s16;
	s19 =	smov.u32 s18;
	s18 =	sadd.s32 $0x200, s18;
	v2 =	vadd.f32 v2, v3  }
0x15e: {  	_ = 	snop  }
0x15f: {  	v0 =	vadd.f32 v0, v2;
	_ =	sdelay $0x1  }
0x160: {  	v0 =	vadd.f32 v1, v0;
	_ =	sdelay $0x1  }
0x161: {  	v0 =	vmul.f32 $5.000000070e-02, v0;
	_ =	sdelay $0x1  }
0x162: {  	[tilespmem:s17+$0xA1F0] =	vst v0  }
0x163: {  	v0 =	vld [tilespmem:s16+$0xFFFFFB80]  }
0x164: {  	v1 =	vld [tilespmem:s16+$0xFFFFFB00]  }
0x165: {  	v2 =	vld [tilespmem:s16+$0xFFFFFC00];
	_ =	sdelay $0x2  }
0x166: {  	v3 =	vld [tilespmem:s16+$0xFFFFFC80]  }
0x167: {  	v0 =	vadd.f32 v0, v1  }
0x168: {  	v1 =	vld [tilespmem:s16+$0xFFFFFD00]  }
0x169: {  	v0 =	vadd.f32 v2, v0  }
0x16a: {  	v2 =	vld [tilespmem:s16+$0xFFFFFD80]  }
0x16b: {  	v0 =	vadd.f32 v3, v0  }
0x16c: {  	v3 =	vld [tilespmem:s16+$0xFFFFFE00]  }
0x16d: {  	v0 =	vadd.f32 v1, v0  }
0x16e: {  	v1 =	vld [tilespmem:s16+$0xFFFFFE80]  }
0x16f: {  	v0 =	vadd.f32 v2, v0  }
0x170: {  	v2 =	vld [tilespmem:s16+$0xFFFFFF00]  }
0x171: {  	v0 =	vadd.f32 v3, v0  }
0x172: {  	v3 =	vld [tilespmem:s16+$0xFFFFFF80]  }
0x173: {  	v0 =	vadd.f32 v1, v0  }
0x174: {  	v1 =	vld [tilespmem:s16+$0x0]  }
0x175: {  	v0 =	vadd.f32 v2, v0  }
0x176: {  	v2 =	vld [tilespmem:s16+$0x80]  }
0x177: {  	v0 =	vadd.f32 v3, v0  }
0x178: {  	v3 =	vld [tilespmem:s16+$0x100]  }
0x179: {  	v0 =	vadd.f32 v1, v0  }
0x17a: {  	v1 =	vld [tilespmem:s16+$0x180]  }
0x17b: {  	v0 =	vadd.f32 v2, v0  }
0x17c: {  	v2 =	vld [tilespmem:s16+$0x200]  }
0x17d: {  	v0 =	vadd.f32 v3, v0  }
0x17e: {  	v3 =	vld [tilespmem:s16+$0x280]  }
0x17f: {  	v0 =	vadd.f32 v1, v0  }
0x180: {  	v1 =	vld [tilespmem:s16+$0x300]  }
0x181: {  	v0 =	vadd.f32 v2, v0  }
0x182: {  	v2 =	vld [tilespmem:s16+$0x380]  }
0x183: {  	v0 =	vadd.f32 v3, v0  }
0x184: {  	v3 =	vld [tilespmem:s16+$0x400]  }
0x185: {  	v0 =	vadd.f32 v1, v0  }
0x186: {  	v1 =	vld [tilespmem:s16+$0x480]  }
0x187: {  	v0 =	vadd.f32 v2, v0;
	_ =	sdelay $0x1  }
0x188: {  	v0 =	vadd.f32 v3, v0;
	_ =	sdelay $0x1  }
0x189: {  	v0 =	vadd.f32 v1, v0;
	_ =	sdelay $0x1  }
0x18a: {  	v0 =	vmul.f32 $5.000000070e-02, v0  }
0x18b: {  	s17 =	sshra.s32 s19, $0x2  }
0x18c: {  	[tilespmem:s17+$0xA180] =	vst v0  }
0x18d: {  	v0 =	vld [tilespmem:s16+$0xFFFFFB10]  }
0x18e: {  	v1 =	vld [tilespmem:s16+$0xFFFFFB90];
	_ =	sdelay $0x1  }
0x18f: {  	v2 =	vld [tilespmem:s16+$0xFFFFFC10];
	_ =	sdelay $0x1  }
0x190: {  	v3 =	vld [tilespmem:s16+$0xFFFFFC90]  }
0x191: {  	v0 =	vadd.f32 v1, v0  }
0x192: {  	v1 =	vld [tilespmem:s16+$0xFFFFFD10]  }
0x193: {  	v0 =	vadd.f32 v2, v0  }
0x194: {  	v2 =	vld [tilespmem:s16+$0xFFFFFD90]  }
0x195: {  	v0 =	vadd.f32 v3, v0  }
0x196: {  	v3 =	vld [tilespmem:s16+$0xFFFFFE10]  }
0x197: {  	v0 =	vadd.f32 v1, v0  }
0x198: {  	v1 =	vld [tilespmem:s16+$0xFFFFFE90]  }
0x199: {  	v0 =	vadd.f32 v2, v0  }
0x19a: {  	v2 =	vld [tilespmem:s16+$0xFFFFFF10]  }
0x19b: {  	v0 =	vadd.f32 v3, v0  }
0x19c: {  	v3 =	vld [tilespmem:s16+$0xFFFFFF90]  }
0x19d: {  	v0 =	vadd.f32 v1, v0  }
0x19e: {  	v1 =	vld [tilespmem:s16+$0x10]  }
0x19f: {  	v0 =	vadd.f32 v2, v0  }
0x1a0: {  	v2 =	vld [tilespmem:s16+$0x90]  }
0x1a1: {  	v0 =	vadd.f32 v3, v0  }
0x1a2: {  	v3 =	vld [tilespmem:s16+$0x110]  }
0x1a3: {  	v0 =	vadd.f32 v1, v0  }
0x1a4: {  	v1 =	vld [tilespmem:s16+$0x190]  }
0x1a5: {  	v0 =	vadd.f32 v2, v0  }
0x1a6: {  	v2 =	vld [tilespmem:s16+$0x210]  }
0x1a7: {  	v0 =	vadd.f32 v3, v0  }
0x1a8: {  	v3 =	vld [tilespmem:s16+$0x290]  }
0x1a9: {  	v0 =	vadd.f32 v1, v0  }
0x1aa: {  	v1 =	vld [tilespmem:s16+$0x310]  }
0x1ab: {  	v0 =	vadd.f32 v2, v0  }
0x1ac: {  	v2 =	vld [tilespmem:s16+$0x390]  }
0x1ad: {  	v0 =	vadd.f32 v3, v0  }
0x1ae: {  	v3 =	vld [tilespmem:s16+$0x410]  }
0x1af: {  	v0 =	vadd.f32 v1, v0  }
0x1b0: {  	v1 =	vld [tilespmem:s16+$0x490]  }
0x1b1: {  	v0 =	vadd.f32 v2, v0;
	_ =	sdelay $0x1  }
0x1b2: {  	v0 =	vadd.f32 v3, v0;
	_ =	sdelay $0x1  }
0x1b3: {  	v0 =	vadd.f32 v1, v0;
	_ =	sdelay $0x1  }
0x1b4: {  	v0 =	vmul.f32 $5.000000070e-02, v0;
	_ =	sdelay $0x1  }
0x1b5: {  	[tilespmem:s17+$0xA190] =	vst v0  }
0x1b6: {  	v0 =	vld [tilespmem:s16+$0xFFFFFB20]  }
0x1b7: {  	v1 =	vld [tilespmem:s16+$0xFFFFFBA0];
	_ =	sdelay $0x1  }
0x1b8: {  	v2 =	vld [tilespmem:s16+$0xFFFFFC20];
	_ =	sdelay $0x1  }
0x1b9: {  	v3 =	vld [tilespmem:s16+$0xFFFFFCA0]  }
0x1ba: {  	v0 =	vadd.f32 v1, v0  }
0x1bb: {  	v1 =	vld [tilespmem:s16+$0xFFFFFD20]  }
0x1bc: {  	v0 =	vadd.f32 v2, v0  }
0x1bd: {  	v2 =	vld [tilespmem:s16+$0xFFFFFDA0]  }
0x1be: {  	v0 =	vadd.f32 v3, v0  }
0x1bf: {  	v3 =	vld [tilespmem:s16+$0xFFFFFE20]  }
0x1c0: {  	v0 =	vadd.f32 v1, v0  }
0x1c1: {  	v1 =	vld [tilespmem:s16+$0xFFFFFEA0]  }
0x1c2: {  	v0 =	vadd.f32 v2, v0  }
0x1c3: {  	v2 =	vld [tilespmem:s16+$0xFFFFFF20]  }
0x1c4: {  	v0 =	vadd.f32 v3, v0  }
0x1c5: {  	v3 =	vld [tilespmem:s16+$0xFFFFFFA0]  }
0x1c6: {  	v0 =	vadd.f32 v1, v0  }
0x1c7: {  	v1 =	vld [tilespmem:s16+$0x20]  }
0x1c8: {  	v0 =	vadd.f32 v2, v0  }
0x1c9: {  	v2 =	vld [tilespmem:s16+$0xA0]  }
0x1ca: {  	v0 =	vadd.f32 v3, v0  }
0x1cb: {  	v3 =	vld [tilespmem:s16+$0x120]  }
0x1cc: {  	v0 =	vadd.f32 v1, v0  }
0x1cd: {  	v1 =	vld [tilespmem:s16+$0x1A0]  }
0x1ce: {  	v0 =	vadd.f32 v2, v0  }
0x1cf: {  	v2 =	vld [tilespmem:s16+$0x220]  }
0x1d0: {  	v0 =	vadd.f32 v3, v0  }
0x1d1: {  	v3 =	vld [tilespmem:s16+$0x2A0]  }
0x1d2: {  	v0 =	vadd.f32 v1, v0  }
0x1d3: {  	v1 =	vld [tilespmem:s16+$0x320]  }
0x1d4: {  	v0 =	vadd.f32 v2, v0  }
0x1d5: {  	v2 =	vld [tilespmem:s16+$0x3A0]  }
0x1d6: {  	v0 =	vadd.f32 v3, v0  }
0x1d7: {  	v3 =	vld [tilespmem:s16+$0x420]  }
0x1d8: {  	v0 =	vadd.f32 v1, v0  }
0x1d9: {  	v1 =	vld [tilespmem:s16+$0x4A0]  }
0x1da: {  	v0 =	vadd.f32 v2, v0;
	_ =	sdelay $0x1  }
0x1db: {  	v0 =	vadd.f32 v3, v0;
	_ =	sdelay $0x1  }
0x1dc: {  	v0 =	vadd.f32 v1, v0;
	_ =	sdelay $0x1  }
0x1dd: {  	v0 =	vmul.f32 $5.000000070e-02, v0;
	_ =	sdelay $0x1  }
0x1de: {  	[tilespmem:s17+$0xA1A0] =	vst v0  }
0x1df: {  	v0 =	vld [tilespmem:s16+$0xFFFFFB30]  }
0x1e0: {  	v1 =	vld [tilespmem:s16+$0xFFFFFBB0];
	_ =	sdelay $0x1  }
0x1e1: {  	v2 =	vld [tilespmem:s16+$0xFFFFFC30];
	_ =	sdelay $0x1  }
0x1e2: {  	v3 =	vld [tilespmem:s16+$0xFFFFFCB0]  }
0x1e3: {  	v0 =	vadd.f32 v1, v0  }
0x1e4: {  	v1 =	vld [tilespmem:s16+$0xFFFFFD30]  }
0x1e5: {  	v0 =	vadd.f32 v2, v0  }
0x1e6: {  	v2 =	vld [tilespmem:s16+$0xFFFFFDB0]  }
0x1e7: {  	v0 =	vadd.f32 v3, v0  }
0x1e8: {  	v3 =	vld [tilespmem:s16+$0xFFFFFE30]  }
0x1e9: {  	v0 =	vadd.f32 v1, v0  }
0x1ea: {  	v1 =	vld [tilespmem:s16+$0xFFFFFEB0]  }
0x1eb: {  	v0 =	vadd.f32 v2, v0  }
0x1ec: {  	v2 =	vld [tilespmem:s16+$0xFFFFFF30]  }
0x1ed: {  	v0 =	vadd.f32 v3, v0  }
0x1ee: {  	v3 =	vld [tilespmem:s16+$0xFFFFFFB0]  }
0x1ef: {  	v0 =	vadd.f32 v1, v0  }
0x1f0: {  	v1 =	vld [tilespmem:s16+$0x30]  }
0x1f1: {  	v0 =	vadd.f32 v2, v0  }
0x1f2: {  	v2 =	vld [tilespmem:s16+$0xB0]  }
0x1f3: {  	v0 =	vadd.f32 v3, v0  }
0x1f4: {  	v3 =	vld [tilespmem:s16+$0x130]  }
0x1f5: {  	v0 =	vadd.f32 v1, v0  }
0x1f6: {  	v1 =	vld [tilespmem:s16+$0x1B0]  }
0x1f7: {  	v0 =	vadd.f32 v2, v0  }
0x1f8: {  	v2 =	vld [tilespmem:s16+$0x230]  }
0x1f9: {  	v0 =	vadd.f32 v3, v0  }
0x1fa: {  	v3 =	vld [tilespmem:s16+$0x2B0]  }
0x1fb: {  	v0 =	vadd.f32 v1, v0  }
0x1fc: {  	v1 =	vld [tilespmem:s16+$0x330]  }
0x1fd: {  	v0 =	vadd.f32 v2, v0  }
0x1fe: {  	v2 =	vld [tilespmem:s16+$0x3B0]  }
0x1ff: {  	v0 =	vadd.f32 v3, v0  }
0x200: {  	v3 =	vld [tilespmem:s16+$0x430]  }
0x201: {  	v0 =	vadd.f32 v1, v0  }
0x202: {  	v1 =	vld [tilespmem:s16+$0x4B0]  }
0x203: {  	v0 =	vadd.f32 v2, v0;
	_ =	sdelay $0x1  }
0x204: {  	v0 =	vadd.f32 v3, v0;
	_ =	sdelay $0x1  }
0x205: {  	v0 =	vadd.f32 v1, v0;
	_ =	sdelay $0x1  }
0x206: {  	v0 =	vmul.f32 $5.000000070e-02, v0;
	_ =	sdelay $0x1  }
0x207: {  	[tilespmem:s17+$0xA1B0] =	vst v0  }
0x208: {  	v0 =	vld [tilespmem:s16+$0xFFFFFB40]  }
0x209: {  	v1 =	vld [tilespmem:s16+$0xFFFFFBC0];
	_ =	sdelay $0x1  }
0x20a: {  	v2 =	vld [tilespmem:s16+$0xFFFFFC40];
	_ =	sdelay $0x1  }
0x20b: {  	v3 =	vld [tilespmem:s16+$0xFFFFFCC0]  }
0x20c: {  	v0 =	vadd.f32 v1, v0  }
0x20d: {  	v1 =	vld [tilespmem:s16+$0xFFFFFD40]  }
0x20e: {  	v0 =	vadd.f32 v2, v0  }
0x20f: {  	v2 =	vld [tilespmem:s16+$0xFFFFFDC0]  }
0x210: {  	v0 =	vadd.f32 v3, v0  }
0x211: {  	v3 =	vld [tilespmem:s16+$0xFFFFFE40]  }
0x212: {  	v0 =	vadd.f32 v1, v0  }
0x213: {  	v1 =	vld [tilespmem:s16+$0xFFFFFEC0]  }
0x214: {  	v0 =	vadd.f32 v2, v0  }
0x215: {  	v2 =	vld [tilespmem:s16+$0xFFFFFF40]  }
0x216: {  	v0 =	vadd.f32 v3, v0  }
0x217: {  	v3 =	vld [tilespmem:s16+$0xFFFFFFC0]  }
0x218: {  	v0 =	vadd.f32 v1, v0  }
0x219: {  	v1 =	vld [tilespmem:s16+$0x40]  }
0x21a: {  	v0 =	vadd.f32 v2, v0  }
0x21b: {  	v2 =	vld [tilespmem:s16+$0xC0]  }
0x21c: {  	v0 =	vadd.f32 v3, v0  }
0x21d: {  	v3 =	vld [tilespmem:s16+$0x140]  }
0x21e: {  	v0 =	vadd.f32 v1, v0  }
0x21f: {  	v1 =	vld [tilespmem:s16+$0x1C0]  }
0x220: {  	v0 =	vadd.f32 v2, v0  }
0x221: {  	v2 =	vld [tilespmem:s16+$0x240]  }
0x222: {  	v0 =	vadd.f32 v3, v0  }
0x223: {  	v3 =	vld [tilespmem:s16+$0x2C0]  }
0x224: {  	v0 =	vadd.f32 v1, v0  }
0x225: {  	v1 =	vld [tilespmem:s16+$0x340]  }
0x226: {  	v0 =	vadd.f32 v2, v0  }
0x227: {  	v2 =	vld [tilespmem:s16+$0x3C0]  }
0x228: {  	v0 =	vadd.f32 v3, v0  }
0x229: {  	v3 =	vld [tilespmem:s16+$0x440]  }
0x22a: {  	v0 =	vadd.f32 v1, v0  }
0x22b: {  	v1 =	vld [tilespmem:s16+$0x4C0]  }
0x22c: {  	v0 =	vadd.f32 v2, v0;
	_ =	sdelay $0x1  }
0x22d: {  	v0 =	vadd.f32 v3, v0;
	_ =	sdelay $0x1  }
0x22e: {  	v0 =	vadd.f32 v1, v0;
	_ =	sdelay $0x1  }
0x22f: {  	v0 =	vmul.f32 $5.000000070e-02, v0;
	_ =	sdelay $0x1  }
0x230: {  	[tilespmem:s17+$0xA1C0] =	vst v0  }
0x231: {  	v0 =	vld [tilespmem:s16+$0xFFFFFB50]  }
0x232: {  	v1 =	vld [tilespmem:s16+$0xFFFFFBD0]  }
0x233: {  	v2 =	vld [tilespmem:s16+$0xFFFFFC50]  }
0x234: {  	v3 =	vld [tilespmem:s16+$0xFFFFFCD0]  }
0x235: {  	v4 =	vld [tilespmem:s16+$0xFFFFFD50]  }
0x236: {  	v5 =	vld [tilespmem:s16+$0xFFFFFDD0]  }
0x237: {  	v0 =	vadd.f32 v1, v0;
	v1 =	vld [tilespmem:s16+$0xFFFFFE50]  }
0x238: {  	v6 =	vld [tilespmem:s16+$0xFFFFFED0]  }
0x239: {  	v0 =	vadd.f32 v2, v0;
	v2 =	vld [tilespmem:s16+$0xFFFFFF50]  }
0x23a: {  	v7 =	vld [tilespmem:s16+$0xFFFFFFD0]  }
0x23b: {  	v0 =	vadd.f32 v3, v0;
	v3 =	vld [tilespmem:s16+$0x50]  }
0x23c: {  	v8 =	vld [tilespmem:s16+$0xD0]  }
0x23d: {  	v0 =	vadd.f32 v4, v0;
	v4 =	vld [tilespmem:s16+$0x150]  }
0x23e: {  	v9 =	vld [tilespmem:s16+$0x1D0]  }
0x23f: {  	v0 =	vadd.f32 v5, v0;
	v5 =	vld [tilespmem:s16+$0x250]  }
0x240: {  	v10 =	vld [tilespmem:s16+$0x2D0]  }
0x241: {  	v0 =	vadd.f32 v1, v0;
	v1 =	vld [tilespmem:s16+$0x350]  }
0x242: {  	v11 =	vld [tilespmem:s16+$0x3D0]  }
0x243: {  	v0 =	vadd.f32 v6, v0;
	v6 =	vld [tilespmem:s16+$0x450]  }
0x244: {  	v12 =	vld [tilespmem:s16+$0x4D0]  }
0x245: {  	v0 =	vadd.f32 v2, v0;
	_ =	sdelay $0x1  }
0x246: {  	v0 =	vadd.f32 v7, v0;
	_ =	sdelay $0x1  }
0x247: {  	v0 =	vadd.f32 v3, v0;
	_ =	sdelay $0x1  }
0x248: {  	v0 =	vadd.f32 v8, v0;
	_ =	sdelay $0x1  }
0x249: {  	v0 =	vadd.f32 v4, v0;
	_ =	sdelay $0x1  }
0x24a: {  	v0 =	vadd.f32 v9, v0;
	_ =	sdelay $0x1  }
0x24b: {  	v0 =	vadd.f32 v5, v0;
	_ =	sdelay $0x1  }
0x24c: {  	v0 =	vadd.f32 v10, v0;
	_ =	sdelay $0x1  }
0x24d: {  	v0 =	vadd.f32 v1, v0;
	_ =	sdelay $0x1  }
0x24e: {  	v0 =	vadd.f32 v11, v0;
	_ =	sdelay $0x1  }
0x24f: {  	v0 =	vadd.f32 v6, v0;
	_ =	sdelay $0x1  }
0x250: {  	v0 =	vadd.f32 v12, v0;
	_ =	sdelay $0x1  }
0x251: {  	v0 =	vmul.f32 $5.000000070e-02, v0;
	_ =	sdelay $0x1  }
0x252: {  	[tilespmem:s17+$0xA1D0] =	vst v0  }
0x253: {  	v0 =	vld [tilespmem:s16+$0xFFFFFB60]  }
0x254: {  	v1 =	vld [tilespmem:s16+$0xFFFFFBE0]  }
0x255: {  	v2 =	vld [tilespmem:s16+$0xFFFFFC60]  }
0x256: {  	v3 =	vld [tilespmem:s16+$0xFFFFFCE0]  }
0x257: {  	v4 =	vld [tilespmem:s16+$0xFFFFFD60]  }
0x258: {  	v5 =	vld [tilespmem:s16+$0xFFFFFDE0]  }
0x259: {  	v0 =	vadd.f32 v1, v0;
	v1 =	vld [tilespmem:s16+$0xFFFFFE60]  }
0x25a: {  	v6 =	vld [tilespmem:s16+$0xFFFFFEE0]  }
0x25b: {  	v0 =	vadd.f32 v2, v0;
	v2 =	vld [tilespmem:s16+$0xFFFFFF60]  }
0x25c: {  	v7 =	vld [tilespmem:s16+$0xFFFFFFE0]  }
0x25d: {  	v0 =	vadd.f32 v3, v0;
	v3 =	vld [tilespmem:s16+$0x60]  }
0x25e: {  	v8 =	vld [tilespmem:s16+$0xE0]  }
0x25f: {  	v0 =	vadd.f32 v4, v0;
	v4 =	vld [tilespmem:s16+$0x160]  }
0x260: {  	v9 =	vld [tilespmem:s16+$0x1E0]  }
0x261: {  	v0 =	vadd.f32 v5, v0;
	v5 =	vld [tilespmem:s16+$0x260]  }
0x262: {  	v10 =	vld [tilespmem:s16+$0x2E0]  }
0x263: {  	v0 =	vadd.f32 v1, v0;
	v1 =	vld [tilespmem:s16+$0x360]  }
0x264: {  	v11 =	vld [tilespmem:s16+$0x3E0]  }
0x265: {  	v0 =	vadd.f32 v6, v0;
	v6 =	vld [tilespmem:s16+$0x460]  }
0x266: {  	v12 =	vld [tilespmem:s16+$0x4E0]  }
0x267: {  	v0 =	vadd.f32 v2, v0;
	_ =	sdelay $0x1  }
0x268: {  	v0 =	vadd.f32 v7, v0;
	_ =	sdelay $0x1  }
0x269: {  	v0 =	vadd.f32 v3, v0;
	_ =	sdelay $0x1  }
0x26a: {  	v0 =	vadd.f32 v8, v0;
	_ =	sdelay $0x1  }
0x26b: {  	v0 =	vadd.f32 v4, v0;
	_ =	sdelay $0x1  }
0x26c: {  	v0 =	vadd.f32 v9, v0;
	_ =	sdelay $0x1  }
0x26d: {  	v0 =	vadd.f32 v5, v0;
	_ =	sdelay $0x1  }
0x26e: {  	v0 =	vadd.f32 v10, v0;
	_ =	sdelay $0x1  }
0x26f: {  	v0 =	vadd.f32 v1, v0;
	_ =	sdelay $0x1  }
0x270: {  	v0 =	vadd.f32 v11, v0;
	_ =	sdelay $0x1  }
0x271: {  	v0 =	vadd.f32 v6, v0;
	_ =	sdelay $0x1  }
0x272: {  	v0 =	vadd.f32 v12, v0;
	_ =	sdelay $0x1  }
0x273: {  	v0 =	vmul.f32 $5.000000070e-02, v0;
	_ =	sdelay $0x1  }
0x274: {  	[tilespmem:s17+$0xA1E0] =	vst v0  }
0x275: {  	v0 =	vld [tilespmem:s16+$0xFFFFFB70]  }
0x276: {  	v1 =	vld [tilespmem:s16+$0xFFFFFBF0]  }
0x277: {  	v2 =	vld [tilespmem:s16+$0xFFFFFC70]  }
0x278: {  	v3 =	vld [tilespmem:s16+$0xFFFFFCF0]  }
0x279: {  	v4 =	vld [tilespmem:s16+$0xFFFFFD70]  }
0x27a: {  	v5 =	vld [tilespmem:s16+$0xFFFFFDF0]  }
0x27b: {  	v0 =	vadd.f32 v1, v0;
	v1 =	vld [tilespmem:s16+$0xFFFFFE70]  }
0x27c: {  	v6 =	vld [tilespmem:s16+$0xFFFFFEF0]  }
0x27d: {  	v0 =	vadd.f32 v2, v0;
	v7 =	vld [tilespmem:s16+$0xFFFFFF70]  }
0x27e: {  	v8 =	vld [tilespmem:s16+$0xFFFFFFF0]  }
0x27f: {  	v0 =	vadd.f32 v3, v0;
	v3 =	vld [tilespmem:s16+$0x70]  }
0x280: {  	v9 =	vld [tilespmem:s16+$0xF0]  }
0x281: {  	v0 =	vadd.f32 v4, v0;
	v4 =	vld [tilespmem:s16+$0x170]  }
0x282: {  	v10 =	vld [tilespmem:s16+$0x1F0]  }
0x283: {  	v0 =	vadd.f32 v5, v0;
	v5 =	vld [tilespmem:s16+$0x270]  }
0x284: {  	v11 =	vld [tilespmem:s16+$0x2F0]  }
0x285: {  	v0 =	vadd.f32 v1, v0;
	v12 =	vld [tilespmem:s16+$0x370]  }
0x286: {  	v2 =	vld [tilespmem:s16+$0x3F0]  }
0x287: {  	v6 =	vadd.f32 v6, v0;
	v0 =	vld [tilespmem:s16+$0x470]  }
0x288: {  	v1 =	vld [tilespmem:s16+$0x4F0]  }
0x289: {  	v6 =	vadd.f32 v7, v6;
	_ =	sdelay $0x1  }
0x28a: {  	v6 =	vadd.f32 v8, v6;
	_ =	sdelay $0x1  }
0x28b: {  	v3 =	vadd.f32 v3, v6;
	_ =	sdelay $0x1  }
0x28c: {  	v3 =	vadd.f32 v9, v3;
	_ =	sdelay $0x1  }
0x28d: {  	v3 =	vadd.f32 v4, v3;
	_ =	sdelay $0x1  }
0x28e: {  	v3 =	vadd.f32 v10, v3;
	_ =	sdelay $0x1  }
.Ltmp0:
0x28f: {  	v3 =	vadd.f32 v5, v3;
	(pc) =	sbr.rel @p0 .LBB2_3-.Ltmp0, $3  }
0x290: {  	_ = 	snop  }
0x291: {  	v3 =	vadd.f32 v11, v3;
	_ =	sdelay $0x1  }
0x292: {  	v3 =	vadd.f32 v12, v3  }
0x293: {  	_ = 	snop  }
0x294: {  	v2 =	vadd.f32 v2, v3;
	_ =	sdelay $0x1  }
0x295: {  	v0 =	vadd.f32 v0, v2;
	_ =	sdelay $0x1  }
0x296: {  	v0 =	vadd.f32 v1, v0;
	_ =	sdelay $0x1  }
0x297: {  	s14 =	sadd.s32 $0x1, s14;
	v0 =	vmul.f32 $5.000000070e-02, v0  }
0x298: {  	s15 =	sshll.u32 s15, $0x4;
	p0 =	sne.s32 s14, $0x8  }
.Ltmp1:
0x299: {  	s15 =	sadd.s32 s5, s15;
	[tilespmem:s17+$0xA1F0] =	vst v0;
	(pc) =	sbr.rel @p0 .LBB2_2-.Ltmp1, $4  }
0x29a: {  	[hbm4b:s15+s2] =	stream.linear.scatter [tilespmem:s12], [sflag:$0x2], $0x800, $0x38;
	[tilespmem:$0xA980] =	vst v63  }
0x29b: {  	_ =	swait.ge [sflag:s8], $0x800  }
0x29c: {  	[sflag:s8] =	ssyncset.done $0x0  }
0x29d: {  	[sflag:s8] =	ssyncadd.s32 $0xFFFFF800  }
0x29e: {  	s13 =	sadd.s32 $0x1, s13  }
0x29f: {  	p0 =	sne.s32 s13, s7  }
.Ltmp2:
0x2a0: {  	_ = 	snop;
	(pc) =	sbr.rel @p0 .LBB2_1-.Ltmp2, $1  }
0x2a1: {  	_ =	sdelay $0x3  }
0x2a2: {  	_ =	sfence.sel $0x180000  }
0x2a3: {  	[bflag:$0x0] =	sbarrier.arrive $0xFFFF  }
0x2a4: {  	p0 =	sne.s32 s3, $0x0;
	_ =	strace $0x90000047  }
0x2a5: {  	s0 =	sadd.s32 @!p0 $0x100000, s0;
	[bflag:$0x2] =	sbarrier.arrive $0xFFFF  }
0x2a6: {  	[sflag:s0] =	ssyncadd.tile.s32 @!p0 $0x1;
	_ =	shalt  }
.Lfunc_end2:
_tile_overlayer_lowered:
.L_overlay_start_2:
0x2a7: {  	(tag) =	ssettag $0x2  }
0x2a8: {  	s0 =	rddreg [dreg:$0x0];
	s2 =	stileid.u32  }
0x2a9: {  	s1 =	rddreg [dreg:$0x1];
	p0 =	sne.s32 s2, $0x0  }
0x2aa: {  	s3 =	rddreg [dreg:$0x2];
	[bflag:$0x3] =	sbarrier.arrive $0xFFFF;
	s2 =	simm.s32 @!p0 $0x1C02  }
0x2ab: {  	[timem:s3], [sflag:s2] =	dma.local @!p0 [hbm:s0], s1  }
0x2ac: {  	s0 =	simm.s32 @!p0 $0x2  }
0x2ad: {  	_ =	swait.ge @!p0 [sflag:s0], s1  }
0x2ae: {  	s1 =	ssub.s32 @!p0 $0x0, s1;
	[sflag:s0] =	ssyncset.done @!p0 $0x0  }
0x2af: {  	[sflag:s0] =	ssyncadd.s32 @!p0 s1  }
0x2b0: {  	[bflag:$0x3] =	sbarrier.arrive $0xFFFF  }
0x2b1: {  	_ =	shalt  }

</sc_bundles>
